<compile_context>
chip_gen: v7x
topology: tpu7x:2x2x1
jax: 0.10.2.dev20260603
libtpu: 0.0.44.dev20260713+nightly
codegen_flags: <defaults>
</compile_context>

<pallas_src>
import functools

import jax
import jax.numpy as jnp
from jax import lax
from jax.experimental import pallas as pl
from jax.experimental.pallas import tpu as pltpu
from jax.experimental.pallas import tpu_sc as plsc

B = 4096
EMB = 128
VOCAB = 1000
HP = 1024
L = 50
EPS = 1e-5

_NC, _NS = 2, 16
_NW = _NC * _NS
_RPW = B // _NW
_CH = 32
_NCH = _RPW // _CH


def _sc_body(seq_hbm, zz_hbm, h_hbm,
             seqb0, seqb1, hb0, hb1, sem0, sem1):
    wid = lax.axis_index("s") * _NC + lax.axis_index("c")
    base = wid * _RPW

    zeros16 = jnp.zeros((16,), jnp.float32)
    ones16 = jnp.ones((16,), jnp.float32)
    tail = lax.iota(jnp.int32, 16) >= jnp.int32(4 * 16 - L)

    cz0 = pltpu.async_copy(zz_hbm, hb0, sem0)
    cz1 = pltpu.async_copy(zz_hbm, hb1, sem1)
    cz0.wait()
    cz1.wait()

    _UNR = 4

    def _rows(seqb, hb):
        def body(i, carry):
            for di in range(_UNR):
                r = i * _UNR + di
                row = jnp.broadcast_to(r, (16,)).astype(jnp.int32)
                for j in range(3):
                    col = seqb[pl.ds(r * L + j * 16, 16)]
                    plsc.addupdate_scatter(hb, [row, col], ones16)
                col = seqb[pl.ds(r * L + (L - 16), 16)]
                plsc.addupdate_scatter(hb, [row, col], ones16, mask=tail)
            return carry
        lax.fori_loop(0, _CH // _UNR, body, 0)

    def _unrows(seqb, hb):
        def body(i, carry):
            for di in range(_UNR):
                r = i * _UNR + di
                row = jnp.broadcast_to(r, (16,)).astype(jnp.int32)
                for j in range(3):
                    col = seqb[pl.ds(r * L + j * 16, 16)]
                    plsc.store_scatter(hb, [row, col], zeros16)
                col = seqb[pl.ds(r * L + (L - 16), 16)]
                plsc.store_scatter(hb, [row, col], zeros16, mask=tail)
            return carry
        lax.fori_loop(0, _CH // _UNR, body, 0)

    bufs = ((seqb0, hb0, sem0), (seqb1, hb1, sem1))
    cps = [None, None]
    for c in range(_NCH):
        seqb, hb, sem = bufs[c % 2]
        if cps[c % 2] is not None:
            cps[c % 2].wait()
            _unrows(seqb, hb)
        r0 = base + c * _CH
        pltpu.sync_copy(seq_hbm.at[pl.ds(r0 * L, _CH * L)], seqb)
        _rows(seqb, hb)
        cps[c % 2] = pltpu.async_copy(hb, h_hbm.at[pl.ds(r0, _CH)], sem)
    cps[0].wait()
    cps[1].wait()


@functools.cache
def _sc_embed_call():
    return pl.kernel(
        _sc_body,
        out_type=jax.ShapeDtypeStruct((B, HP), jnp.float32),
        mesh=plsc.VectorSubcoreMesh(core_axis_name="c", subcore_axis_name="s",
                                    num_cores=_NC, num_subcores=_NS),
        scratch_types=[
            pltpu.VMEM((_CH * L,), jnp.int32),
            pltpu.VMEM((_CH * L,), jnp.int32),
            pltpu.VMEM((_CH, HP), jnp.float32),
            pltpu.VMEM((_CH, HP), jnp.float32),
            pltpu.SemaphoreType.DMA,
            pltpu.SemaphoreType.DMA,
        ],
        compiler_params=pltpu.CompilerParams(needs_layout_passes=False),
    )


def _sc_embed(*args):
    return _sc_embed_call()(*args)

TILE = 1024
GRID = B // TILE


def _bn_fold(st_s, g_ref, be_ref):
    mu = st_s[0:1, :] * (1.0 / B)
    var = st_s[1:2, :] * (1.0 / B) - mu * mu
    a = g_ref[...] * lax.rsqrt(var + EPS)
    c = be_ref[...] - mu * a
    return a, c


def _stats(st_s, i, h32):
    @pl.when(i == 0)
    def _():
        st_s[...] = jnp.zeros_like(st_s)
    st_s[...] += jnp.concatenate(
        [jnp.sum(h32, 0, keepdims=True),
         jnp.sum(h32 * h32, 0, keepdims=True)], 0)


def _fused_body(h_ref, pos_ref, side_ref, cw_ref, pw_ref, sw_ref,
                W1_ref, b1_ref, g1_ref, be1_ref,
                W2_ref, b2_ref, g2_ref, be2_ref,
                W3_ref, b3_ref, g3_ref, be3_ref,
                Wo_ref, bo_ref, o_ref,
                h1_s, h2_s, h3_s, st1_s, st2_s, st3_s):
    s = pl.program_id(0)
    i = pl.program_id(1)
    r = pl.ds(i * TILE, TILE)

    @pl.when(s == 0)
    def _l1():
        hb = h_ref[...].astype(jnp.bfloat16)
        sv = jnp.dot(hb, cw_ref[...], preferred_element_type=jnp.float32)
        n = jnp.maximum(jnp.float32(L) - h_ref[:, 0:1], 1.0)
        m = sv / n
        lanes = lax.broadcasted_iota(jnp.int32, (TILE, EMB), 1)
        oh_p = (pos_ref[...] == lanes).astype(jnp.bfloat16)
        oh_s = (side_ref[...] == lanes).astype(jnp.bfloat16)
        p = jnp.dot(oh_p, pw_ref[...], preferred_element_type=jnp.float32)
        d = jnp.dot(oh_s, sw_ref[...], preferred_element_type=jnp.float32)
        x = jnp.concatenate([sv, m, p, d], axis=1)
        y = jnp.dot(x.astype(jnp.bfloat16), W1_ref[...],
                    preferred_element_type=jnp.float32) + b1_ref[...]
        hb1 = jnp.maximum(y, 0.0).astype(jnp.bfloat16)
        h1_s[r, :] = hb1
        _stats(st1_s, i, hb1.astype(jnp.float32))

    @pl.when(s == 1)
    def _l2():
        a, c = _bn_fold(st1_s, g1_ref, be1_ref)
        z = (h1_s[r, :].astype(jnp.float32) * a + c).astype(jnp.bfloat16)
        y = jnp.dot(z, W2_ref[...],
                    preferred_element_type=jnp.float32) + b2_ref[...]
        hb = jnp.maximum(y, 0.0).astype(jnp.bfloat16)
        h2_s[r, :] = hb
        _stats(st2_s, i, hb.astype(jnp.float32))

    @pl.when(s == 2)
    def _l3():
        a, c = _bn_fold(st2_s, g2_ref, be2_ref)
        z = (h2_s[r, :].astype(jnp.float32) * a + c).astype(jnp.bfloat16)
        y = jnp.dot(z, W3_ref[...],
                    preferred_element_type=jnp.float32) + b3_ref[...]
        hb = jnp.maximum(y, 0.0).astype(jnp.bfloat16)
        h3_s[r, :] = hb
        _stats(st3_s, i, hb.astype(jnp.float32))

    @pl.when(s == 3)
    def _l4():
        a, c = _bn_fold(st3_s, g3_ref, be3_ref)
        z = (h3_s[r, :].astype(jnp.float32) * a + c).astype(jnp.bfloat16)
        o_ref[...] = jnp.dot(z, Wo_ref[...],
                             preferred_element_type=jnp.float32) + bo_ref[...]


def _tc_mlp(h2d, pos_f, side_f, cw, pw, sw, W1b, b1r, g1r, be1r,
            W2b, b2r, g2r, be2r, W3b, b3r, g3r, be3r, Wob, bor):
    def row0(s, i):
        return (jnp.where(s == 0, i, 0), 0)

    def row3(s, i):
        return (jnp.where(s == 3, i, 0), 0)

    def full(s, i):
        return (0, 0)

    def fs(m, n):
        return pl.BlockSpec((m, n), full)

    return pl.pallas_call(
        _fused_body,
        grid=(4, GRID),
        in_specs=[
            pl.BlockSpec((TILE, HP), row0),
            pl.BlockSpec((TILE, 1), row0),
            pl.BlockSpec((TILE, 1), row0),
            fs(HP, EMB), fs(EMB, EMB), fs(EMB, EMB),
            fs(4 * EMB, 1024), fs(1, 1024), fs(1, 1024), fs(1, 1024),
            fs(1024, 1024), fs(1, 1024), fs(1, 1024), fs(1, 1024),
            fs(1024, 512), fs(1, 512), fs(1, 512), fs(1, 512),
            fs(512, VOCAB), fs(1, VOCAB),
        ],
        out_specs=pl.BlockSpec((TILE, VOCAB), row3),
        out_shape=jax.ShapeDtypeStruct((B, VOCAB), jnp.float32),
        scratch_shapes=[
            pltpu.VMEM((B, 1024), jnp.bfloat16),
            pltpu.VMEM((B, 1024), jnp.bfloat16),
            pltpu.VMEM((B, 512), jnp.bfloat16),
            pltpu.VMEM((2, 1024), jnp.float32),
            pltpu.VMEM((2, 1024), jnp.float32),
            pltpu.VMEM((2, 512), jnp.float32),
        ],
        compiler_params=pltpu.CompilerParams(
            dimension_semantics=("arbitrary", "arbitrary"),
            vmem_limit_bytes=100 * 1024 * 1024,
        ),
    )(h2d, pos_f, side_f, cw, pw, sw, W1b, b1r, g1r, be1r,
      W2b, b2r, g2r, be2r, W3b, b3r, g3r, be3r, Wob, bor)


def kernel(seq, pos, side, champ_w, pos_w, side_w,
           W1, b1, g1, be1, W2, b2, g2, be2, W3, b3, g3, be3,
           Wout, bout):
    h2d = _sc_embed(seq.astype(jnp.int32).reshape(-1),
                    jnp.zeros((_CH, HP), jnp.float32))

    cw = jnp.pad(champ_w, ((0, HP - VOCAB), (0, 0))).astype(jnp.bfloat16)
    pw = jnp.pad(pos_w, ((0, EMB - pos_w.shape[0]), (0, 0))).astype(jnp.bfloat16)
    sw = jnp.pad(side_w, ((0, EMB - side_w.shape[0]), (0, 0))).astype(jnp.bfloat16)
    pos_f = pos.astype(jnp.int32).reshape(B, 1)
    side_f = side.astype(jnp.int32).reshape(B, 1)
    W1b = W1.astype(jnp.bfloat16)
    W2b = W2.astype(jnp.bfloat16)
    W3b = W3.astype(jnp.bfloat16)
    Wob = Wout.astype(jnp.bfloat16)
    bo = bout.reshape(1, VOCAB)

    return _tc_mlp(h2d, pos_f, side_f, cw, pw, sw,
                   W1b, b1.reshape(1, -1), g1.reshape(1, -1),
                   be1.reshape(1, -1),
                   W2b, b2.reshape(1, -1), g2.reshape(1, -1),
                   be2.reshape(1, -1),
                   W3b, b3.reshape(1, -1), g3.reshape(1, -1),
                   be3.reshape(1, -1), Wob, bo)

# --- scband reference (transcript-rebuilt; emitter-appended) ---
"""Pipeline reference for scband-mlpnet-670014899172 (READ-ONLY COPY).

The authoritative reference and input builder live on the scoring server;
editing this copy changes nothing except your own understanding.
"""

import jax, jax.numpy as jnp
import numpy as np

VOCAB = 1000
EMB = 128
HID = [1024, 1024, 512]
NPOS = 20
B = 4096
L = 50
EPS = 1e-5


def setup_inputs(seed: int = 0) -> dict:
    key = jax.random.key(seed)
    ks = jax.random.split(key, 32)
    seq = jax.random.randint(ks[0], (B, L), 0, VOCAB)
    pos = jax.random.randint(ks[1], (B,), 0, NPOS)
    side = jax.random.randint(ks[2], (B,), 0, 2)
    champ_w = jax.random.normal(ks[3], (VOCAB, EMB), jnp.float32) * 0.02
    champ_w = champ_w.at[0].set(0.0)  # padding_idx=0
    pos_w = jax.random.normal(ks[4], (NPOS, EMB), jnp.float32) * 0.02
    side_w = jax.random.normal(ks[5], (2, EMB), jnp.float32) * 0.02
    dims = [EMB * 4] + HID
    inp = {"seq": seq, "pos": pos, "side": side,
           "champ_w": champ_w, "pos_w": pos_w, "side_w": side_w}
    ki = 6
    for j in range(len(HID)):
        fan_in = dims[j]
        inp[f"W{j+1}"] = jax.random.normal(ks[ki], (dims[j], dims[j + 1]), jnp.float32) / np.sqrt(fan_in); ki += 1
        inp[f"b{j+1}"] = jnp.zeros((dims[j + 1],), jnp.float32)
        inp[f"g{j+1}"] = jnp.ones((dims[j + 1],), jnp.float32)
        inp[f"be{j+1}"] = jnp.zeros((dims[j + 1],), jnp.float32)
    inp["Wout"] = jax.random.normal(ks[ki], (HID[-1], VOCAB), jnp.float32) / np.sqrt(HID[-1])
    inp["bout"] = jnp.zeros((VOCAB,), jnp.float32)
    return inp


def reference(seq, pos, side, champ_w, pos_w, side_w,
              W1, b1, g1, be1, W2, b2, g2, be2, W3, b3, g3, be3,
              Wout, bout):
    emb = jnp.take(champ_w, seq, axis=0)                  # [B, L, E]
    mask = (seq != 0).astype(jnp.float32)[..., None]      # [B, L, 1]
    masked = emb * mask
    s = masked.sum(axis=1)                                # [B, E]
    n = jnp.clip(mask.sum(axis=1), 1.0, None)             # [B, 1]
    m = s / n
    p = jnp.take(pos_w, pos, axis=0)                      # [B, E]
    d = jnp.take(side_w, side, axis=0)                    # [B, E]
    x = jnp.concatenate([s, m, p, d], axis=1)             # [B, 4E]
    for (W, b, g, be) in ((W1, b1, g1, be1), (W2, b2, g2, be2), (W3, b3, g3, be3)):
        x = x @ W + b
        x = jax.nn.relu(x)
        mu = x.mean(axis=0)
        var = x.var(axis=0)  # biased, as torch BatchNorm training forward
        x = g * (x - mu) / jnp.sqrt(var + EPS) + be
        # dropout is identity in inference reference
    return x @ Wout + bout

if __name__ == "__main__":
    import jax
    _d = setup_inputs()
    print(jax.jit(kernel)(*tuple(_d.values())))

</pallas_src>

<mosaic_0001>
#map = affine_map<(d0, d1) -> (0)>
#map1 = affine_map<(d0, d1) -> (0, 0)>
module attributes {stable_mosaic.version = 14 : i64} {
  func.func @_sc_body(%arg0: i32, %arg1: i32, %arg2: memref<204800xi32, #tpu.memory_space<hbm>>, %arg3: memref<32x1024xf32, #tpu.memory_space<hbm>>, %arg4: memref<4096x1024xf32, #tpu.memory_space<hbm>>, %arg5: memref<1600xi32, #tpu.memory_space<vmem>>, %arg6: memref<1600xi32, #tpu.memory_space<vmem>>, %arg7: memref<32x1024xf32, #tpu.memory_space<vmem>>, %arg8: memref<32x1024xf32, #tpu.memory_space<vmem>>, %arg9: memref<!tpu.dma_semaphore, #tpu.memory_space<semaphore_mem>>, %arg10: memref<!tpu.dma_semaphore, #tpu.memory_space<semaphore_mem>>) attributes {dimension_semantics = [#tpu.dimension_semantics<core_parallel>, #tpu.dimension_semantics<subcore_parallel>], iteration_bounds = array<i64: 2, 16>, scalar_prefetch = 0 : i64, scratch_operands = 6 : i64, tpu.core_type = #tpu.core_type<sc_vector_subcore>, window_params = [{transform_indices = #map}, {transform_indices = #map1}, {transform_indices = #map1}]} {
    %mul3A = arith.constant 2 : i32
    %mul3A_0 = arith.muli %arg1, %mul3A : i32
    %add3A = arith.addi %mul3A_0, %arg0 : i32
    %mul3A_1 = arith.constant 128 : i32
    %mul3A_2 = arith.muli %add3A, %mul3A_1 : i32
    %broadcast_in_dim3A = arith.constant 0.000000e+00 : f32
    %broadcast_in_dim3A_3 = vector.broadcast %broadcast_in_dim3A : f32 to vector<16xf32>
    %broadcast_in_dim3A_4 = arith.constant 1.000000e+00 : f32
    %broadcast_in_dim3A_5 = vector.broadcast %broadcast_in_dim3A_4 : f32 to vector<16xf32>
    %iota3A = tpu.iota {dimensions = array<i32: 0>} : vector<16xi32>
    %ge3A = arith.constant 14 : i32
    %ge3A_6 = vector.broadcast %ge3A : i32 to vector<16xi32>
    %ge3A_7 = arith.cmpi sge, %iota3A, %ge3A_6 : vector<16xi32>
    tpu.enqueue_dma source(%arg3 : memref<32x1024xf32, #tpu.memory_space<hbm>>) target(%arg7 : memref<32x1024xf32, #tpu.memory_space<vmem>>) target_semaphore(%arg9 : memref<!tpu.dma_semaphore, #tpu.memory_space<semaphore_mem>>)
    tpu.enqueue_dma source(%arg3 : memref<32x1024xf32, #tpu.memory_space<hbm>>) target(%arg8 : memref<32x1024xf32, #tpu.memory_space<vmem>>) target_semaphore(%arg10 : memref<!tpu.dma_semaphore, #tpu.memory_space<semaphore_mem>>)
    tpu.wait_dma2 semaphore(%arg9 : memref<!tpu.dma_semaphore, #tpu.memory_space<semaphore_mem>>) src(%arg3 : memref<32x1024xf32, #tpu.memory_space<hbm>>) dst(%arg7 : memref<32x1024xf32, #tpu.memory_space<vmem>>)
    tpu.wait_dma2 semaphore(%arg10 : memref<!tpu.dma_semaphore, #tpu.memory_space<semaphore_mem>>) src(%arg3 : memref<32x1024xf32, #tpu.memory_space<hbm>>) dst(%arg8 : memref<32x1024xf32, #tpu.memory_space<vmem>>)
    %add3A_8 = arith.constant 0 : i32
    %add3A_9 = arith.addi %mul3A_2, %add3A_8 : i32
    %mul3A_10 = arith.constant 50 : i32
    %mul3A_11 = arith.muli %add3A_9, %mul3A_10 : i32
    "tpu.region"() ({
      %run_scoped3A = tpu.sem_alloc : memref<!tpu.dma_semaphore, #tpu.memory_space<semaphore_mem>>
      %dma_start3A_89 = tpu.memref_slice %arg2[%mul3A_11] : memref<204800xi32, #tpu.memory_space<hbm>> -> memref<1600xi32, #tpu.memory_space<hbm>>
      %dma_start3A_90 = tpu.memref_slice %arg2[%mul3A_11] : memref<204800xi32, #tpu.memory_space<hbm>> -> memref<1600xi32, #tpu.memory_space<hbm>>
      tpu.enqueue_dma source(%dma_start3A_90 : memref<1600xi32, #tpu.memory_space<hbm>>) target(%arg5 : memref<1600xi32, #tpu.memory_space<vmem>>) target_semaphore(%run_scoped3A : memref<!tpu.dma_semaphore, #tpu.memory_space<semaphore_mem>>)
      %dma_wait3A_91 = tpu.memref_slice %arg2[%mul3A_11] : memref<204800xi32, #tpu.memory_space<hbm>> -> memref<1600xi32, #tpu.memory_space<hbm>>
      %dma_wait3A_92 = tpu.memref_slice %arg2[%mul3A_11] : memref<204800xi32, #tpu.memory_space<hbm>> -> memref<1600xi32, #tpu.memory_space<hbm>>
      tpu.wait_dma2 semaphore(%run_scoped3A : memref<!tpu.dma_semaphore, #tpu.memory_space<semaphore_mem>>) src(%dma_wait3A_92 : memref<1600xi32, #tpu.memory_space<hbm>>) dst(%arg5 : memref<1600xi32, #tpu.memory_space<vmem>>)
      tpu.yield
    }) : () -> ()
    %scan3A = arith.constant 0 : i32
    %scan3A_12 = arith.constant 0 : i32
    %scan3A_13 = arith.constant 8 : i32
    %scan3A_14 = arith.addi %scan3A_12, %scan3A_13 : i32
    %scan3A_15 = arith.constant 1 : i32
    scf.for %scan3A_89 = %scan3A_12 to %scan3A_14 step %scan3A_15  : i32 {
      %mul3A_90 = arith.constant 4 : i32
      %mul3A_91 = arith.muli %scan3A_89, %mul3A_90 : i32
      %add3A_92 = arith.constant 0 : i32
      %add3A_93 = arith.addi %mul3A_91, %add3A_92 : i32
      %broadcast_in_dim3A_94 = vector.broadcast %add3A_93 : i32 to vector<16xi32>
      %mul3A_95 = arith.constant 50 : i32
      %mul3A_96 = arith.muli %add3A_93, %mul3A_95 : i32
      %add3A_97 = arith.constant 0 : i32
      %add3A_98 = arith.addi %mul3A_96, %add3A_97 : i32
      %get3A = arith.index_cast %add3A_98 : i32 to index
      %get3A_99 = tpu.vector_load %arg5[%get3A] {strides = array<i32>} : memref<1600xi32, #tpu.memory_space<vmem>>, vector<16xi32>,
      tpu.vector_store_idx %arg7[%broadcast_in_dim3A_94, %get3A_99], %broadcast_in_dim3A_5 {add = true} : memref<32x1024xf32, #tpu.memory_space<vmem>>[vector<16xi32>, vector<16xi32>], vector<16xf32>,
      %mul3A_100 = arith.constant 50 : i32
      %mul3A_101 = arith.muli %add3A_93, %mul3A_100 : i32
      %add3A_102 = arith.constant 16 : i32
      %add3A_103 = arith.addi %mul3A_101, %add3A_102 : i32
      %get3A_104 = arith.index_cast %add3A_103 : i32 to index
      %get3A_105 = tpu.vector_load %arg5[%get3A_104] {strides = array<i32>} : memref<1600xi32, #tpu.memory_space<vmem>>, vector<16xi32>,
      tpu.vector_store_idx %arg7[%broadcast_in_dim3A_94, %get3A_105], %broadcast_in_dim3A_5 {add = true} : memref<32x1024xf32, #tpu.memory_space<vmem>>[vector<16xi32>, vector<16xi32>], vector<16xf32>,
      %mul3A_106 = arith.constant 50 : i32
      %mul3A_107 = arith.muli %add3A_93, %mul3A_106 : i32
      %add3A_108 = arith.constant 32 : i32
      %add3A_109 = arith.addi %mul3A_107, %add3A_108 : i32
      %get3A_110 = arith.index_cast %add3A_109 : i32 to index
      %get3A_111 = tpu.vector_load %arg5[%get3A_110] {strides = array<i32>} : memref<1600xi32, #tpu.memory_space<vmem>>, vector<16xi32>,
      tpu.vector_store_idx %arg7[%broadcast_in_dim3A_94, %get3A_111], %broadcast_in_dim3A_5 {add = true} : memref<32x1024xf32, #tpu.memory_space<vmem>>[vector<16xi32>, vector<16xi32>], vector<16xf32>,
      %mul3A_112 = arith.constant 50 : i32
      %mul3A_113 = arith.muli %add3A_93, %mul3A_112 : i32
      %add3A_114 = arith.constant 34 : i32
      %add3A_115 = arith.addi %mul3A_113, %add3A_114 : i32
      %get3A_116 = arith.index_cast %add3A_115 : i32 to index
      %get3A_117 = tpu.vector_load %arg5[%get3A_116] {strides = array<i32>} : memref<1600xi32, #tpu.memory_space<vmem>>, vector<16xi32>,
      tpu.vector_store_idx %arg7[%broadcast_in_dim3A_94, %get3A_117], %broadcast_in_dim3A_5 masked %ge3A_7 {add = true} : memref<32x1024xf32, #tpu.memory_space<vmem>>[vector<16xi32>, vector<16xi32>], vector<16xf32>, vector<16xi1>
      %mul3A_118 = arith.constant 4 : i32
      %mul3A_119 = arith.muli %scan3A_89, %mul3A_118 : i32
      %add3A_120 = arith.constant 1 : i32
      %add3A_121 = arith.addi %mul3A_119, %add3A_120 : i32
      %broadcast_in_dim3A_122 = vector.broadcast %add3A_121 : i32 to vector<16xi32>
      %mul3A_123 = arith.constant 50 : i32
      %mul3A_124 = arith.muli %add3A_121, %mul3A_123 : i32
      %add3A_125 = arith.constant 0 : i32
      %add3A_126 = arith.addi %mul3A_124, %add3A_125 : i32
      %get3A_127 = arith.index_cast %add3A_126 : i32 to index
      %get3A_128 = tpu.vector_load %arg5[%get3A_127] {strides = array<i32>} : memref<1600xi32, #tpu.memory_space<vmem>>, vector<16xi32>,
      tpu.vector_store_idx %arg7[%broadcast_in_dim3A_122, %get3A_128], %broadcast_in_dim3A_5 {add = true} : memref<32x1024xf32, #tpu.memory_space<vmem>>[vector<16xi32>, vector<16xi32>], vector<16xf32>,
      %mul3A_129 = arith.constant 50 : i32
      %mul3A_130 = arith.muli %add3A_121, %mul3A_129 : i32
      %add3A_131 = arith.constant 16 : i32
      %add3A_132 = arith.addi %mul3A_130, %add3A_131 : i32
      %get3A_133 = arith.index_cast %add3A_132 : i32 to index
      %get3A_134 = tpu.vector_load %arg5[%get3A_133] {strides = array<i32>} : memref<1600xi32, #tpu.memory_space<vmem>>, vector<16xi32>,
      tpu.vector_store_idx %arg7[%broadcast_in_dim3A_122, %get3A_134], %broadcast_in_dim3A_5 {add = true} : memref<32x1024xf32, #tpu.memory_space<vmem>>[vector<16xi32>, vector<16xi32>], vector<16xf32>,
      %mul3A_135 = arith.constant 50 : i32
      %mul3A_136 = arith.muli %add3A_121, %mul3A_135 : i32
      %add3A_137 = arith.constant 32 : i32
      %add3A_138 = arith.addi %mul3A_136, %add3A_137 : i32
      %get3A_139 = arith.index_cast %add3A_138 : i32 to index
      %get3A_140 = tpu.vector_load %arg5[%get3A_139] {strides = array<i32>} : memref<1600xi32, #tpu.memory_space<vmem>>, vector<16xi32>,
      tpu.vector_store_idx %arg7[%broadcast_in_dim3A_122, %get3A_140], %broadcast_in_dim3A_5 {add = true} : memref<32x1024xf32, #tpu.memory_space<vmem>>[vector<16xi32>, vector<16xi32>], vector<16xf32>,
      %mul3A_141 = arith.constant 50 : i32
      %mul3A_142 = arith.muli %add3A_121, %mul3A_141 : i32
      %add3A_143 = arith.constant 34 : i32
      %add3A_144 = arith.addi %mul3A_142, %add3A_143 : i32
      %get3A_145 = arith.index_cast %add3A_144 : i32 to index
      %get3A_146 = tpu.vector_load %arg5[%get3A_145] {strides = array<i32>} : memref<1600xi32, #tpu.memory_space<vmem>>, vector<16xi32>,
      tpu.vector_store_idx %arg7[%broadcast_in_dim3A_122, %get3A_146], %broadcast_in_dim3A_5 masked %ge3A_7 {add = true} : memref<32x1024xf32, #tpu.memory_space<vmem>>[vector<16xi32>, vector<16xi32>], vector<16xf32>, vector<16xi1>
      %mul3A_147 = arith.constant 4 : i32
      %mul3A_148 = arith.muli %scan3A_89, %mul3A_147 : i32
      %add3A_149 = arith.constant 2 : i32
      %add3A_150 = arith.addi %mul3A_148, %add3A_149 : i32
      %broadcast_in_dim3A_151 = vector.broadcast %add3A_150 : i32 to vector<16xi32>
      %mul3A_152 = arith.constant 50 : i32
      %mul3A_153 = arith.muli %add3A_150, %mul3A_152 : i32
      %add3A_154 = arith.constant 0 : i32
      %add3A_155 = arith.addi %mul3A_153, %add3A_154 : i32
      %get3A_156 = arith.index_cast %add3A_155 : i32 to index
      %get3A_157 = tpu.vector_load %arg5[%get3A_156] {strides = array<i32>} : memref<1600xi32, #tpu.memory_space<vmem>>, vector<16xi32>,
      tpu.vector_store_idx %arg7[%broadcast_in_dim3A_151, %get3A_157], %broadcast_in_dim3A_5 {add = true} : memref<32x1024xf32, #tpu.memory_space<vmem>>[vector<16xi32>, vector<16xi32>], vector<16xf32>,
      %mul3A_158 = arith.constant 50 : i32
      %mul3A_159 = arith.muli %add3A_150, %mul3A_158 : i32
      %add3A_160 = arith.constant 16 : i32
      %add3A_161 = arith.addi %mul3A_159, %add3A_160 : i32
      %get3A_162 = arith.index_cast %add3A_161 : i32 to index
      %get3A_163 = tpu.vector_load %arg5[%get3A_162] {strides = array<i32>} : memref<1600xi32, #tpu.memory_space<vmem>>, vector<16xi32>,
      tpu.vector_store_idx %arg7[%broadcast_in_dim3A_151, %get3A_163], %broadcast_in_dim3A_5 {add = true} : memref<32x1024xf32, #tpu.memory_space<vmem>>[vector<16xi32>, vector<16xi32>], vector<16xf32>,
      %mul3A_164 = arith.constant 50 : i32
      %mul3A_165 = arith.muli %add3A_150, %mul3A_164 : i32
      %add3A_166 = arith.constant 32 : i32
      %add3A_167 = arith.addi %mul3A_165, %add3A_166 : i32
      %get3A_168 = arith.index_cast %add3A_167 : i32 to index
      %get3A_169 = tpu.vector_load %arg5[%get3A_168] {strides = array<i32>} : memref<1600xi32, #tpu.memory_space<vmem>>, vector<16xi32>,
      tpu.vector_store_idx %arg7[%broadcast_in_dim3A_151, %get3A_169], %broadcast_in_dim3A_5 {add = true} : memref<32x1024xf32, #tpu.memory_space<vmem>>[vector<16xi32>, vector<16xi32>], vector<16xf32>,
      %mul3A_170 = arith.constant 50 : i32
      %mul3A_171 = arith.muli %add3A_150, %mul3A_170 : i32
      %add3A_172 = arith.constant 34 : i32
      %add3A_173 = arith.addi %mul3A_171, %add3A_172 : i32
      %get3A_174 = arith.index_cast %add3A_173 : i32 to index
      %get3A_175 = tpu.vector_load %arg5[%get3A_174] {strides = array<i32>} : memref<1600xi32, #tpu.memory_space<vmem>>, vector<16xi32>,
      tpu.vector_store_idx %arg7[%broadcast_in_dim3A_151, %get3A_175], %broadcast_in_dim3A_5 masked %ge3A_7 {add = true} : memref<32x1024xf32, #tpu.memory_space<vmem>>[vector<16xi32>, vector<16xi32>], vector<16xf32>, vector<16xi1>
      %mul3A_176 = arith.constant 4 : i32
      %mul3A_177 = arith.muli %scan3A_89, %mul3A_176 : i32
      %add3A_178 = arith.constant 3 : i32
      %add3A_179 = arith.addi %mul3A_177, %add3A_178 : i32
      %broadcast_in_dim3A_180 = vector.broadcast %add3A_179 : i32 to vector<16xi32>
      %mul3A_181 = arith.constant 50 : i32
      %mul3A_182 = arith.muli %add3A_179, %mul3A_181 : i32
      %add3A_183 = arith.constant 0 : i32
      %add3A_184 = arith.addi %mul3A_182, %add3A_183 : i32
      %get3A_185 = arith.index_cast %add3A_184 : i32 to index
      %get3A_186 = tpu.vector_load %arg5[%get3A_185] {strides = array<i32>} : memref<1600xi32, #tpu.memory_space<vmem>>, vector<16xi32>,
      tpu.vector_store_idx %arg7[%broadcast_in_dim3A_180, %get3A_186], %broadcast_in_dim3A_5 {add = true} : memref<32x1024xf32, #tpu.memory_space<vmem>>[vector<16xi32>, vector<16xi32>], vector<16xf32>,
      %mul3A_187 = arith.constant 50 : i32
      %mul3A_188 = arith.muli %add3A_179, %mul3A_187 : i32
      %add3A_189 = arith.constant 16 : i32
      %add3A_190 = arith.addi %mul3A_188, %add3A_189 : i32
      %get3A_191 = arith.index_cast %add3A_190 : i32 to index
      %get3A_192 = tpu.vector_load %arg5[%get3A_191] {strides = array<i32>} : memref<1600xi32, #tpu.memory_space<vmem>>, vector<16xi32>,
      tpu.vector_store_idx %arg7[%broadcast_in_dim3A_180, %get3A_192], %broadcast_in_dim3A_5 {add = true} : memref<32x1024xf32, #tpu.memory_space<vmem>>[vector<16xi32>, vector<16xi32>], vector<16xf32>,
      %mul3A_193 = arith.constant 50 : i32
      %mul3A_194 = arith.muli %add3A_179, %mul3A_193 : i32
      %add3A_195 = arith.constant 32 : i32
      %add3A_196 = arith.addi %mul3A_194, %add3A_195 : i32
      %get3A_197 = arith.index_cast %add3A_196 : i32 to index
      %get3A_198 = tpu.vector_load %arg5[%get3A_197] {strides = array<i32>} : memref<1600xi32, #tpu.memory_space<vmem>>, vector<16xi32>,
      tpu.vector_store_idx %arg7[%broadcast_in_dim3A_180, %get3A_198], %broadcast_in_dim3A_5 {add = true} : memref<32x1024xf32, #tpu.memory_space<vmem>>[vector<16xi32>, vector<16xi32>], vector<16xf32>,
      %mul3A_199 = arith.constant 50 : i32
      %mul3A_200 = arith.muli %add3A_179, %mul3A_199 : i32
      %add3A_201 = arith.constant 34 : i32
      %add3A_202 = arith.addi %mul3A_200, %add3A_201 : i32
      %get3A_203 = arith.index_cast %add3A_202 : i32 to index
      %get3A_204 = tpu.vector_load %arg5[%get3A_203] {strides = array<i32>} : memref<1600xi32, #tpu.memory_space<vmem>>, vector<16xi32>,
      tpu.vector_store_idx %arg7[%broadcast_in_dim3A_180, %get3A_204], %broadcast_in_dim3A_5 masked %ge3A_7 {add = true} : memref<32x1024xf32, #tpu.memory_space<vmem>>[vector<16xi32>, vector<16xi32>], vector<16xf32>, vector<16xi1>
    }
    %scan3A_16 = arith.constant 8 : i32
    %dma_start3A = arith.constant 0 : i32
    %dma_start3A_17 = tpu.memref_slice %arg4[%add3A_9, %dma_start3A] : memref<4096x1024xf32, #tpu.memory_space<hbm>> -> memref<32x1024xf32, #tpu.memory_space<hbm>>
    %dma_start3A_18 = arith.constant 0 : i32
    %dma_start3A_19 = tpu.memref_slice %arg4[%add3A_9, %dma_start3A_18] : memref<4096x1024xf32, #tpu.memory_space<hbm>> -> memref<32x1024xf32, #tpu.memory_space<hbm>>
    tpu.enqueue_dma source(%arg7 : memref<32x1024xf32, #tpu.memory_space<vmem>>) target(%dma_start3A_19 : memref<32x1024xf32, #tpu.memory_space<hbm>>) target_semaphore(%arg9 : memref<!tpu.dma_semaphore, #tpu.memory_space<semaphore_mem>>)
    %add3A_20 = arith.constant 32 : i32
    %add3A_21 = arith.addi %mul3A_2, %add3A_20 : i32
    %mul3A_22 = arith.constant 50 : i32
    %mul3A_23 = arith.muli %add3A_21, %mul3A_22 : i32
    "tpu.region"() ({
      %run_scoped3A = tpu.sem_alloc : memref<!tpu.dma_semaphore, #tpu.memory_space<semaphore_mem>>
      %dma_start3A_89 = tpu.memref_slice %arg2[%mul3A_23] : memref<204800xi32, #tpu.memory_space<hbm>> -> memref<1600xi32, #tpu.memory_space<hbm>>
      %dma_start3A_90 = tpu.memref_slice %arg2[%mul3A_23] : memref<204800xi32, #tpu.memory_space<hbm>> -> memref<1600xi32, #tpu.memory_space<hbm>>
      tpu.enqueue_dma source(%dma_start3A_90 : memref<1600xi32, #tpu.memory_space<hbm>>) target(%arg6 : memref<1600xi32, #tpu.memory_space<vmem>>) target_semaphore(%run_scoped3A : memref<!tpu.dma_semaphore, #tpu.memory_space<semaphore_mem>>)
      %dma_wait3A_91 = tpu.memref_slice %arg2[%mul3A_23] : memref<204800xi32, #tpu.memory_space<hbm>> -> memref<1600xi32, #tpu.memory_space<hbm>>
      %dma_wait3A_92 = tpu.memref_slice %arg2[%mul3A_23] : memref<204800xi32, #tpu.memory_space<hbm>> -> memref<1600xi32, #tpu.memory_space<hbm>>
      tpu.wait_dma2 semaphore(%run_scoped3A : memref<!tpu.dma_semaphore, #tpu.memory_space<semaphore_mem>>) src(%dma_wait3A_92 : memref<1600xi32, #tpu.memory_space<hbm>>) dst(%arg6 : memref<1600xi32, #tpu.memory_space<vmem>>)
      tpu.yield
    }) : () -> ()
    %scan3A_24 = arith.constant 0 : i32
    %scan3A_25 = arith.constant 0 : i32
    %scan3A_26 = arith.constant 8 : i32
    %scan3A_27 = arith.addi %scan3A_25, %scan3A_26 : i32
    %scan3A_28 = arith.constant 1 : i32
    scf.for %scan3A_89 = %scan3A_25 to %scan3A_27 step %scan3A_28  : i32 {
      %mul3A_90 = arith.constant 4 : i32
      %mul3A_91 = arith.muli %scan3A_89, %mul3A_90 : i32
      %add3A_92 = arith.constant 0 : i32
      %add3A_93 = arith.addi %mul3A_91, %add3A_92 : i32
      %broadcast_in_dim3A_94 = vector.broadcast %add3A_93 : i32 to vector<16xi32>
      %mul3A_95 = arith.constant 50 : i32
      %mul3A_96 = arith.muli %add3A_93, %mul3A_95 : i32
      %add3A_97 = arith.constant 0 : i32
      %add3A_98 = arith.addi %mul3A_96, %add3A_97 : i32
      %get3A = arith.index_cast %add3A_98 : i32 to index
      %get3A_99 = tpu.vector_load %arg6[%get3A] {strides = array<i32>} : memref<1600xi32, #tpu.memory_space<vmem>>, vector<16xi32>,
      tpu.vector_store_idx %arg8[%broadcast_in_dim3A_94, %get3A_99], %broadcast_in_dim3A_5 {add = true} : memref<32x1024xf32, #tpu.memory_space<vmem>>[vector<16xi32>, vector<16xi32>], vector<16xf32>,
      %mul3A_100 = arith.constant 50 : i32
      %mul3A_101 = arith.muli %add3A_93, %mul3A_100 : i32
      %add3A_102 = arith.constant 16 : i32
      %add3A_103 = arith.addi %mul3A_101, %add3A_102 : i32
      %get3A_104 = arith.index_cast %add3A_103 : i32 to index
      %get3A_105 = tpu.vector_load %arg6[%get3A_104] {strides = array<i32>} : memref<1600xi32, #tpu.memory_space<vmem>>, vector<16xi32>,
      tpu.vector_store_idx %arg8[%broadcast_in_dim3A_94, %get3A_105], %broadcast_in_dim3A_5 {add = true} : memref<32x1024xf32, #tpu.memory_space<vmem>>[vector<16xi32>, vector<16xi32>], vector<16xf32>,
      %mul3A_106 = arith.constant 50 : i32
      %mul3A_107 = arith.muli %add3A_93, %mul3A_106 : i32
      %add3A_108 = arith.constant 32 : i32
      %add3A_109 = arith.addi %mul3A_107, %add3A_108 : i32
      %get3A_110 = arith.index_cast %add3A_109 : i32 to index
      %get3A_111 = tpu.vector_load %arg6[%get3A_110] {strides = array<i32>} : memref<1600xi32, #tpu.memory_space<vmem>>, vector<16xi32>,
      tpu.vector_store_idx %arg8[%broadcast_in_dim3A_94, %get3A_111], %broadcast_in_dim3A_5 {add = true} : memref<32x1024xf32, #tpu.memory_space<vmem>>[vector<16xi32>, vector<16xi32>], vector<16xf32>,
      %mul3A_112 = arith.constant 50 : i32
      %mul3A_113 = arith.muli %add3A_93, %mul3A_112 : i32
      %add3A_114 = arith.constant 34 : i32
      %add3A_115 = arith.addi %mul3A_113, %add3A_114 : i32
      %get3A_116 = arith.index_cast %add3A_115 : i32 to index
      %get3A_117 = tpu.vector_load %arg6[%get3A_116] {strides = array<i32>} : memref<1600xi32, #tpu.memory_space<vmem>>, vector<16xi32>,
      tpu.vector_store_idx %arg8[%broadcast_in_dim3A_94, %get3A_117], %broadcast_in_dim3A_5 masked %ge3A_7 {add = true} : memref<32x1024xf32, #tpu.memory_space<vmem>>[vector<16xi32>, vector<16xi32>], vector<16xf32>, vector<16xi1>
      %mul3A_118 = arith.constant 4 : i32
      %mul3A_119 = arith.muli %scan3A_89, %mul3A_118 : i32
      %add3A_120 = arith.constant 1 : i32
      %add3A_121 = arith.addi %mul3A_119, %add3A_120 : i32
      %broadcast_in_dim3A_122 = vector.broadcast %add3A_121 : i32 to vector<16xi32>
      %mul3A_123 = arith.constant 50 : i32
      %mul3A_124 = arith.muli %add3A_121, %mul3A_123 : i32
      %add3A_125 = arith.constant 0 : i32
      %add3A_126 = arith.addi %mul3A_124, %add3A_125 : i32
      %get3A_127 = arith.index_cast %add3A_126 : i32 to index
      %get3A_128 = tpu.vector_load %arg6[%get3A_127] {strides = array<i32>} : memref<1600xi32, #tpu.memory_space<vmem>>, vector<16xi32>,
      tpu.vector_store_idx %arg8[%broadcast_in_dim3A_122, %get3A_128], %broadcast_in_dim3A_5 {add = true} : memref<32x1024xf32, #tpu.memory_space<vmem>>[vector<16xi32>, vector<16xi32>], vector<16xf32>,
      %mul3A_129 = arith.constant 50 : i32
      %mul3A_130 = arith.muli %add3A_121, %mul3A_129 : i32
      %add3A_131 = arith.constant 16 : i32
      %add3A_132 = arith.addi %mul3A_130, %add3A_131 : i32
      %get3A_133 = arith.index_cast %add3A_132 : i32 to index
      %get3A_134 = tpu.vector_load %arg6[%get3A_133] {strides = array<i32>} : memref<1600xi32, #tpu.memory_space<vmem>>, vector<16xi32>,
      tpu.vector_store_idx %arg8[%broadcast_in_dim3A_122, %get3A_134], %broadcast_in_dim3A_5 {add = true} : memref<32x1024xf32, #tpu.memory_space<vmem>>[vector<16xi32>, vector<16xi32>], vector<16xf32>,
      %mul3A_135 = arith.constant 50 : i32
      %mul3A_136 = arith.muli %add3A_121, %mul3A_135 : i32
      %add3A_137 = arith.constant 32 : i32
      %add3A_138 = arith.addi %mul3A_136, %add3A_137 : i32
      %get3A_139 = arith.index_cast %add3A_138 : i32 to index
      %get3A_140 = tpu.vector_load %arg6[%get3A_139] {strides = array<i32>} : memref<1600xi32, #tpu.memory_space<vmem>>, vector<16xi32>,
      tpu.vector_store_idx %arg8[%broadcast_in_dim3A_122, %get3A_140], %broadcast_in_dim3A_5 {add = true} : memref<32x1024xf32, #tpu.memory_space<vmem>>[vector<16xi32>, vector<16xi32>], vector<16xf32>,
      %mul3A_141 = arith.constant 50 : i32
      %mul3A_142 = arith.muli %add3A_121, %mul3A_141 : i32
      %add3A_143 = arith.constant 34 : i32
      %add3A_144 = arith.addi %mul3A_142, %add3A_143 : i32
      %get3A_145 = arith.index_cast %add3A_144 : i32 to index
      %get3A_146 = tpu.vector_load %arg6[%get3A_145] {strides = array<i32>} : memref<1600xi32, #tpu.memory_space<vmem>>, vector<16xi32>,
      tpu.vector_store_idx %arg8[%broadcast_in_dim3A_122, %get3A_146], %broadcast_in_dim3A_5 masked %ge3A_7 {add = true} : memref<32x1024xf32, #tpu.memory_space<vmem>>[vector<16xi32>, vector<16xi32>], vector<16xf32>, vector<16xi1>
      %mul3A_147 = arith.constant 4 : i32
      %mul3A_148 = arith.muli %scan3A_89, %mul3A_147 : i32
      %add3A_149 = arith.constant 2 : i32
      %add3A_150 = arith.addi %mul3A_148, %add3A_149 : i32
      %broadcast_in_dim3A_151 = vector.broadcast %add3A_150 : i32 to vector<16xi32>
      %mul3A_152 = arith.constant 50 : i32
      %mul3A_153 = arith.muli %add3A_150, %mul3A_152 : i32
      %add3A_154 = arith.constant 0 : i32
      %add3A_155 = arith.addi %mul3A_153, %add3A_154 : i32
      %get3A_156 = arith.index_cast %add3A_155 : i32 to index
      %get3A_157 = tpu.vector_load %arg6[%get3A_156] {strides = array<i32>} : memref<1600xi32, #tpu.memory_space<vmem>>, vector<16xi32>,
      tpu.vector_store_idx %arg8[%broadcast_in_dim3A_151, %get3A_157], %broadcast_in_dim3A_5 {add = true} : memref<32x1024xf32, #tpu.memory_space<vmem>>[vector<16xi32>, vector<16xi32>], vector<16xf32>,
      %mul3A_158 = arith.constant 50 : i32
      %mul3A_159 = arith.muli %add3A_150, %mul3A_158 : i32
      %add3A_160 = arith.constant 16 : i32
      %add3A_161 = arith.addi %mul3A_159, %add3A_160 : i32
      %get3A_162 = arith.index_cast %add3A_161 : i32 to index
      %get3A_163 = tpu.vector_load %arg6[%get3A_162] {strides = array<i32>} : memref<1600xi32, #tpu.memory_space<vmem>>, vector<16xi32>,
      tpu.vector_store_idx %arg8[%broadcast_in_dim3A_151, %get3A_163], %broadcast_in_dim3A_5 {add = true} : memref<32x1024xf32, #tpu.memory_space<vmem>>[vector<16xi32>, vector<16xi32>], vector<16xf32>,
      %mul3A_164 = arith.constant 50 : i32
      %mul3A_165 = arith.muli %add3A_150, %mul3A_164 : i32
      %add3A_166 = arith.constant 32 : i32
      %add3A_167 = arith.addi %mul3A_165, %add3A_166 : i32
      %get3A_168 = arith.index_cast %add3A_167 : i32 to index
      %get3A_169 = tpu.vector_load %arg6[%get3A_168] {strides = array<i32>} : memref<1600xi32, #tpu.memory_space<vmem>>, vector<16xi32>,
      tpu.vector_store_idx %arg8[%broadcast_in_dim3A_151, %get3A_169], %broadcast_in_dim3A_5 {add = true} : memref<32x1024xf32, #tpu.memory_space<vmem>>[vector<16xi32>, vector<16xi32>], vector<16xf32>,
      %mul3A_170 = arith.constant 50 : i32
      %mul3A_171 = arith.muli %add3A_150, %mul3A_170 : i32
      %add3A_172 = arith.constant 34 : i32
      %add3A_173 = arith.addi %mul3A_171, %add3A_172 : i32
      %get3A_174 = arith.index_cast %add3A_173 : i32 to index
      %get3A_175 = tpu.vector_load %arg6[%get3A_174] {strides = array<i32>} : memref<1600xi32, #tpu.memory_space<vmem>>, vector<16xi32>,
      tpu.vector_store_idx %arg8[%broadcast_in_dim3A_151, %get3A_175], %broadcast_in_dim3A_5 masked %ge3A_7 {add = true} : memref<32x1024xf32, #tpu.memory_space<vmem>>[vector<16xi32>, vector<16xi32>], vector<16xf32>, vector<16xi1>
      %mul3A_176 = arith.constant 4 : i32
      %mul3A_177 = arith.muli %scan3A_89, %mul3A_176 : i32
      %add3A_178 = arith.constant 3 : i32
      %add3A_179 = arith.addi %mul3A_177, %add3A_178 : i32
      %broadcast_in_dim3A_180 = vector.broadcast %add3A_179 : i32 to vector<16xi32>
      %mul3A_181 = arith.constant 50 : i32
      %mul3A_182 = arith.muli %add3A_179, %mul3A_181 : i32
      %add3A_183 = arith.constant 0 : i32
      %add3A_184 = arith.addi %mul3A_182, %add3A_183 : i32
      %get3A_185 = arith.index_cast %add3A_184 : i32 to index
      %get3A_186 = tpu.vector_load %arg6[%get3A_185] {strides = array<i32>} : memref<1600xi32, #tpu.memory_space<vmem>>, vector<16xi32>,
      tpu.vector_store_idx %arg8[%broadcast_in_dim3A_180, %get3A_186], %broadcast_in_dim3A_5 {add = true} : memref<32x1024xf32, #tpu.memory_space<vmem>>[vector<16xi32>, vector<16xi32>], vector<16xf32>,
      %mul3A_187 = arith.constant 50 : i32
      %mul3A_188 = arith.muli %add3A_179, %mul3A_187 : i32
      %add3A_189 = arith.constant 16 : i32
      %add3A_190 = arith.addi %mul3A_188, %add3A_189 : i32
      %get3A_191 = arith.index_cast %add3A_190 : i32 to index
      %get3A_192 = tpu.vector_load %arg6[%get3A_191] {strides = array<i32>} : memref<1600xi32, #tpu.memory_space<vmem>>, vector<16xi32>,
      tpu.vector_store_idx %arg8[%broadcast_in_dim3A_180, %get3A_192], %broadcast_in_dim3A_5 {add = true} : memref<32x1024xf32, #tpu.memory_space<vmem>>[vector<16xi32>, vector<16xi32>], vector<16xf32>,
      %mul3A_193 = arith.constant 50 : i32
      %mul3A_194 = arith.muli %add3A_179, %mul3A_193 : i32
      %add3A_195 = arith.constant 32 : i32
      %add3A_196 = arith.addi %mul3A_194, %add3A_195 : i32
      %get3A_197 = arith.index_cast %add3A_196 : i32 to index
      %get3A_198 = tpu.vector_load %arg6[%get3A_197] {strides = array<i32>} : memref<1600xi32, #tpu.memory_space<vmem>>, vector<16xi32>,
      tpu.vector_store_idx %arg8[%broadcast_in_dim3A_180, %get3A_198], %broadcast_in_dim3A_5 {add = true} : memref<32x1024xf32, #tpu.memory_space<vmem>>[vector<16xi32>, vector<16xi32>], vector<16xf32>,
      %mul3A_199 = arith.constant 50 : i32
      %mul3A_200 = arith.muli %add3A_179, %mul3A_199 : i32
      %add3A_201 = arith.constant 34 : i32
      %add3A_202 = arith.addi %mul3A_200, %add3A_201 : i32
      %get3A_203 = arith.index_cast %add3A_202 : i32 to index
      %get3A_204 = tpu.vector_load %arg6[%get3A_203] {strides = array<i32>} : memref<1600xi32, #tpu.memory_space<vmem>>, vector<16xi32>,
      tpu.vector_store_idx %arg8[%broadcast_in_dim3A_180, %get3A_204], %broadcast_in_dim3A_5 masked %ge3A_7 {add = true} : memref<32x1024xf32, #tpu.memory_space<vmem>>[vector<16xi32>, vector<16xi32>], vector<16xf32>, vector<16xi1>
    }
    %scan3A_29 = arith.constant 8 : i32
    %dma_start3A_30 = arith.constant 0 : i32
    %dma_start3A_31 = tpu.memref_slice %arg4[%add3A_21, %dma_start3A_30] : memref<4096x1024xf32, #tpu.memory_space<hbm>> -> memref<32x1024xf32, #tpu.memory_space<hbm>>
    %dma_start3A_32 = arith.constant 0 : i32
    %dma_start3A_33 = tpu.memref_slice %arg4[%add3A_21, %dma_start3A_32] : memref<4096x1024xf32, #tpu.memory_space<hbm>> -> memref<32x1024xf32, #tpu.memory_space<hbm>>
    tpu.enqueue_dma source(%arg8 : memref<32x1024xf32, #tpu.memory_space<vmem>>) target(%dma_start3A_33 : memref<32x1024xf32, #tpu.memory_space<hbm>>) target_semaphore(%arg10 : memref<!tpu.dma_semaphore, #tpu.memory_space<semaphore_mem>>)
    %dma_wait3A = arith.constant 0 : i32
    %dma_wait3A_34 = tpu.memref_slice %arg4[%add3A_9, %dma_wait3A] : memref<4096x1024xf32, #tpu.memory_space<hbm>> -> memref<32x1024xf32, #tpu.memory_space<hbm>>
    %dma_wait3A_35 = arith.constant 0 : i32
    %dma_wait3A_36 = tpu.memref_slice %arg4[%add3A_9, %dma_wait3A_35] : memref<4096x1024xf32, #tpu.memory_space<hbm>> -> memref<32x1024xf32, #tpu.memory_space<hbm>>
    tpu.wait_dma2 semaphore(%arg9 : memref<!tpu.dma_semaphore, #tpu.memory_space<semaphore_mem>>) src(%arg7 : memref<32x1024xf32, #tpu.memory_space<vmem>>) dst(%dma_wait3A_36 : memref<32x1024xf32, #tpu.memory_space<hbm>>)
    %scan3A_37 = arith.constant 0 : i32
    %scan3A_38 = arith.constant 0 : i32
    %scan3A_39 = arith.constant 8 : i32
    %scan3A_40 = arith.addi %scan3A_38, %scan3A_39 : i32
    %scan3A_41 = arith.constant 1 : i32
    scf.for %scan3A_89 = %scan3A_38 to %scan3A_40 step %scan3A_41  : i32 {
      %mul3A_90 = arith.constant 4 : i32
      %mul3A_91 = arith.muli %scan3A_89, %mul3A_90 : i32
      %add3A_92 = arith.constant 0 : i32
      %add3A_93 = arith.addi %mul3A_91, %add3A_92 : i32
      %broadcast_in_dim3A_94 = vector.broadcast %add3A_93 : i32 to vector<16xi32>
      %mul3A_95 = arith.constant 50 : i32
      %mul3A_96 = arith.muli %add3A_93, %mul3A_95 : i32
      %add3A_97 = arith.constant 0 : i32
      %add3A_98 = arith.addi %mul3A_96, %add3A_97 : i32
      %get3A = arith.index_cast %add3A_98 : i32 to index
      %get3A_99 = tpu.vector_load %arg5[%get3A] {strides = array<i32>} : memref<1600xi32, #tpu.memory_space<vmem>>, vector<16xi32>,
      tpu.vector_store_idx %arg7[%broadcast_in_dim3A_94, %get3A_99], %broadcast_in_dim3A_3 : memref<32x1024xf32, #tpu.memory_space<vmem>>[vector<16xi32>, vector<16xi32>], vector<16xf32>,
      %mul3A_100 = arith.constant 50 : i32
      %mul3A_101 = arith.muli %add3A_93, %mul3A_100 : i32
      %add3A_102 = arith.constant 16 : i32
      %add3A_103 = arith.addi %mul3A_101, %add3A_102 : i32
      %get3A_104 = arith.index_cast %add3A_103 : i32 to index
      %get3A_105 = tpu.vector_load %arg5[%get3A_104] {strides = array<i32>} : memref<1600xi32, #tpu.memory_space<vmem>>, vector<16xi32>,
      tpu.vector_store_idx %arg7[%broadcast_in_dim3A_94, %get3A_105], %broadcast_in_dim3A_3 : memref<32x1024xf32, #tpu.memory_space<vmem>>[vector<16xi32>, vector<16xi32>], vector<16xf32>,
      %mul3A_106 = arith.constant 50 : i32
      %mul3A_107 = arith.muli %add3A_93, %mul3A_106 : i32
      %add3A_108 = arith.constant 32 : i32
      %add3A_109 = arith.addi %mul3A_107, %add3A_108 : i32
      %get3A_110 = arith.index_cast %add3A_109 : i32 to index
      %get3A_111 = tpu.vector_load %arg5[%get3A_110] {strides = array<i32>} : memref<1600xi32, #tpu.memory_space<vmem>>, vector<16xi32>,
      tpu.vector_store_idx %arg7[%broadcast_in_dim3A_94, %get3A_111], %broadcast_in_dim3A_3 : memref<32x1024xf32, #tpu.memory_space<vmem>>[vector<16xi32>, vector<16xi32>], vector<16xf32>,
      %mul3A_112 = arith.constant 50 : i32
      %mul3A_113 = arith.muli %add3A_93, %mul3A_112 : i32
      %add3A_114 = arith.constant 34 : i32
      %add3A_115 = arith.addi %mul3A_113, %add3A_114 : i32
      %get3A_116 = arith.index_cast %add3A_115 : i32 to index
      %get3A_117 = tpu.vector_load %arg5[%get3A_116] {strides = array<i32>} : memref<1600xi32, #tpu.memory_space<vmem>>, vector<16xi32>,
      tpu.vector_store_idx %arg7[%broadcast_in_dim3A_94, %get3A_117], %broadcast_in_dim3A_3 masked %ge3A_7 : memref<32x1024xf32, #tpu.memory_space<vmem>>[vector<16xi32>, vector<16xi32>], vector<16xf32>, vector<16xi1>
      %mul3A_118 = arith.constant 4 : i32
      %mul3A_119 = arith.muli %scan3A_89, %mul3A_118 : i32
      %add3A_120 = arith.constant 1 : i32
      %add3A_121 = arith.addi %mul3A_119, %add3A_120 : i32
      %broadcast_in_dim3A_122 = vector.broadcast %add3A_121 : i32 to vector<16xi32>
      %mul3A_123 = arith.constant 50 : i32
      %mul3A_124 = arith.muli %add3A_121, %mul3A_123 : i32
      %add3A_125 = arith.constant 0 : i32
      %add3A_126 = arith.addi %mul3A_124, %add3A_125 : i32
      %get3A_127 = arith.index_cast %add3A_126 : i32 to index
      %get3A_128 = tpu.vector_load %arg5[%get3A_127] {strides = array<i32>} : memref<1600xi32, #tpu.memory_space<vmem>>, vector<16xi32>,
      tpu.vector_store_idx %arg7[%broadcast_in_dim3A_122, %get3A_128], %broadcast_in_dim3A_3 : memref<32x1024xf32, #tpu.memory_space<vmem>>[vector<16xi32>, vector<16xi32>], vector<16xf32>,
      %mul3A_129 = arith.constant 50 : i32
      %mul3A_130 = arith.muli %add3A_121, %mul3A_129 : i32
      %add3A_131 = arith.constant 16 : i32
      %add3A_132 = arith.addi %mul3A_130, %add3A_131 : i32
      %get3A_133 = arith.index_cast %add3A_132 : i32 to index
      %get3A_134 = tpu.vector_load %arg5[%get3A_133] {strides = array<i32>} : memref<1600xi32, #tpu.memory_space<vmem>>, vector<16xi32>,
      tpu.vector_store_idx %arg7[%broadcast_in_dim3A_122, %get3A_134], %broadcast_in_dim3A_3 : memref<32x1024xf32, #tpu.memory_space<vmem>>[vector<16xi32>, vector<16xi32>], vector<16xf32>,
      %mul3A_135 = arith.constant 50 : i32
      %mul3A_136 = arith.muli %add3A_121, %mul3A_135 : i32
      %add3A_137 = arith.constant 32 : i32
      %add3A_138 = arith.addi %mul3A_136, %add3A_137 : i32
      %get3A_139 = arith.index_cast %add3A_138 : i32 to index
      %get3A_140 = tpu.vector_load %arg5[%get3A_139] {strides = array<i32>} : memref<1600xi32, #tpu.memory_space<vmem>>, vector<16xi32>,
      tpu.vector_store_idx %arg7[%broadcast_in_dim3A_122, %get3A_140], %broadcast_in_dim3A_3 : memref<32x1024xf32, #tpu.memory_space<vmem>>[vector<16xi32>, vector<16xi32>], vector<16xf32>,
      %mul3A_141 = arith.constant 50 : i32
      %mul3A_142 = arith.muli %add3A_121, %mul3A_141 : i32
      %add3A_143 = arith.constant 34 : i32
      %add3A_144 = arith.addi %mul3A_142, %add3A_143 : i32
      %get3A_145 = arith.index_cast %add3A_144 : i32 to index
      %get3A_146 = tpu.vector_load %arg5[%get3A_145] {strides = array<i32>} : memref<1600xi32, #tpu.memory_space<vmem>>, vector<16xi32>,
      tpu.vector_store_idx %arg7[%broadcast_in_dim3A_122, %get3A_146], %broadcast_in_dim3A_3 masked %ge3A_7 : memref<32x1024xf32, #tpu.memory_space<vmem>>[vector<16xi32>, vector<16xi32>], vector<16xf32>, vector<16xi1>
      %mul3A_147 = arith.constant 4 : i32
      %mul3A_148 = arith.muli %scan3A_89, %mul3A_147 : i32
      %add3A_149 = arith.constant 2 : i32
      %add3A_150 = arith.addi %mul3A_148, %add3A_149 : i32
      %broadcast_in_dim3A_151 = vector.broadcast %add3A_150 : i32 to vector<16xi32>
      %mul3A_152 = arith.constant 50 : i32
      %mul3A_153 = arith.muli %add3A_150, %mul3A_152 : i32
      %add3A_154 = arith.constant 0 : i32
      %add3A_155 = arith.addi %mul3A_153, %add3A_154 : i32
      %get3A_156 = arith.index_cast %add3A_155 : i32 to index
      %get3A_157 = tpu.vector_load %arg5[%get3A_156] {strides = array<i32>} : memref<1600xi32, #tpu.memory_space<vmem>>, vector<16xi32>,
      tpu.vector_store_idx %arg7[%broadcast_in_dim3A_151, %get3A_157], %broadcast_in_dim3A_3 : memref<32x1024xf32, #tpu.memory_space<vmem>>[vector<16xi32>, vector<16xi32>], vector<16xf32>,
      %mul3A_158 = arith.constant 50 : i32
      %mul3A_159 = arith.muli %add3A_150, %mul3A_158 : i32
      %add3A_160 = arith.constant 16 : i32
      %add3A_161 = arith.addi %mul3A_159, %add3A_160 : i32
      %get3A_162 = arith.index_cast %add3A_161 : i32 to index
      %get3A_163 = tpu.vector_load %arg5[%get3A_162] {strides = array<i32>} : memref<1600xi32, #tpu.memory_space<vmem>>, vector<16xi32>,
      tpu.vector_store_idx %arg7[%broadcast_in_dim3A_151, %get3A_163], %broadcast_in_dim3A_3 : memref<32x1024xf32, #tpu.memory_space<vmem>>[vector<16xi32>, vector<16xi32>], vector<16xf32>,
      %mul3A_164 = arith.constant 50 : i32
      %mul3A_165 = arith.muli %add3A_150, %mul3A_164 : i32
      %add3A_166 = arith.constant 32 : i32
      %add3A_167 = arith.addi %mul3A_165, %add3A_166 : i32
      %get3A_168 = arith.index_cast %add3A_167 : i32 to index
      %get3A_169 = tpu.vector_load %arg5[%get3A_168] {strides = array<i32>} : memref<1600xi32, #tpu.memory_space<vmem>>, vector<16xi32>,
      tpu.vector_store_idx %arg7[%broadcast_in_dim3A_151, %get3A_169], %broadcast_in_dim3A_3 : memref<32x1024xf32, #tpu.memory_space<vmem>>[vector<16xi32>, vector<16xi32>], vector<16xf32>,
      %mul3A_170 = arith.constant 50 : i32
      %mul3A_171 = arith.muli %add3A_150, %mul3A_170 : i32
      %add3A_172 = arith.constant 34 : i32
      %add3A_173 = arith.addi %mul3A_171, %add3A_172 : i32
      %get3A_174 = arith.index_cast %add3A_173 : i32 to index
      %get3A_175 = tpu.vector_load %arg5[%get3A_174] {strides = array<i32>} : memref<1600xi32, #tpu.memory_space<vmem>>, vector<16xi32>,
      tpu.vector_store_idx %arg7[%broadcast_in_dim3A_151, %get3A_175], %broadcast_in_dim3A_3 masked %ge3A_7 : memref<32x1024xf32, #tpu.memory_space<vmem>>[vector<16xi32>, vector<16xi32>], vector<16xf32>, vector<16xi1>
      %mul3A_176 = arith.constant 4 : i32
      %mul3A_177 = arith.muli %scan3A_89, %mul3A_176 : i32
      %add3A_178 = arith.constant 3 : i32
      %add3A_179 = arith.addi %mul3A_177, %add3A_178 : i32
      %broadcast_in_dim3A_180 = vector.broadcast %add3A_179 : i32 to vector<16xi32>
      %mul3A_181 = arith.constant 50 : i32
      %mul3A_182 = arith.muli %add3A_179, %mul3A_181 : i32
      %add3A_183 = arith.constant 0 : i32
      %add3A_184 = arith.addi %mul3A_182, %add3A_183 : i32
      %get3A_185 = arith.index_cast %add3A_184 : i32 to index
      %get3A_186 = tpu.vector_load %arg5[%get3A_185] {strides = array<i32>} : memref<1600xi32, #tpu.memory_space<vmem>>, vector<16xi32>,
      tpu.vector_store_idx %arg7[%broadcast_in_dim3A_180, %get3A_186], %broadcast_in_dim3A_3 : memref<32x1024xf32, #tpu.memory_space<vmem>>[vector<16xi32>, vector<16xi32>], vector<16xf32>,
      %mul3A_187 = arith.constant 50 : i32
      %mul3A_188 = arith.muli %add3A_179, %mul3A_187 : i32
      %add3A_189 = arith.constant 16 : i32
      %add3A_190 = arith.addi %mul3A_188, %add3A_189 : i32
      %get3A_191 = arith.index_cast %add3A_190 : i32 to index
      %get3A_192 = tpu.vector_load %arg5[%get3A_191] {strides = array<i32>} : memref<1600xi32, #tpu.memory_space<vmem>>, vector<16xi32>,
      tpu.vector_store_idx %arg7[%broadcast_in_dim3A_180, %get3A_192], %broadcast_in_dim3A_3 : memref<32x1024xf32, #tpu.memory_space<vmem>>[vector<16xi32>, vector<16xi32>], vector<16xf32>,
      %mul3A_193 = arith.constant 50 : i32
      %mul3A_194 = arith.muli %add3A_179, %mul3A_193 : i32
      %add3A_195 = arith.constant 32 : i32
      %add3A_196 = arith.addi %mul3A_194, %add3A_195 : i32
      %get3A_197 = arith.index_cast %add3A_196 : i32 to index
      %get3A_198 = tpu.vector_load %arg5[%get3A_197] {strides = array<i32>} : memref<1600xi32, #tpu.memory_space<vmem>>, vector<16xi32>,
      tpu.vector_store_idx %arg7[%broadcast_in_dim3A_180, %get3A_198], %broadcast_in_dim3A_3 : memref<32x1024xf32, #tpu.memory_space<vmem>>[vector<16xi32>, vector<16xi32>], vector<16xf32>,
      %mul3A_199 = arith.constant 50 : i32
      %mul3A_200 = arith.muli %add3A_179, %mul3A_199 : i32
      %add3A_201 = arith.constant 34 : i32
      %add3A_202 = arith.addi %mul3A_200, %add3A_201 : i32
      %get3A_203 = arith.index_cast %add3A_202 : i32 to index
      %get3A_204 = tpu.vector_load %arg5[%get3A_203] {strides = array<i32>} : memref<1600xi32, #tpu.memory_space<vmem>>, vector<16xi32>,
      tpu.vector_store_idx %arg7[%broadcast_in_dim3A_180, %get3A_204], %broadcast_in_dim3A_3 masked %ge3A_7 : memref<32x1024xf32, #tpu.memory_space<vmem>>[vector<16xi32>, vector<16xi32>], vector<16xf32>, vector<16xi1>
    }
    %scan3A_42 = arith.constant 8 : i32
    %add3A_43 = arith.constant 64 : i32
    %add3A_44 = arith.addi %mul3A_2, %add3A_43 : i32
    %mul3A_45 = arith.constant 50 : i32
    %mul3A_46 = arith.muli %add3A_44, %mul3A_45 : i32
    "tpu.region"() ({
      %run_scoped3A = tpu.sem_alloc : memref<!tpu.dma_semaphore, #tpu.memory_space<semaphore_mem>>
      %dma_start3A_89 = tpu.memref_slice %arg2[%mul3A_46] : memref<204800xi32, #tpu.memory_space<hbm>> -> memref<1600xi32, #tpu.memory_space<hbm>>
      %dma_start3A_90 = tpu.memref_slice %arg2[%mul3A_46] : memref<204800xi32, #tpu.memory_space<hbm>> -> memref<1600xi32, #tpu.memory_space<hbm>>
      tpu.enqueue_dma source(%dma_start3A_90 : memref<1600xi32, #tpu.memory_space<hbm>>) target(%arg5 : memref<1600xi32, #tpu.memory_space<vmem>>) target_semaphore(%run_scoped3A : memref<!tpu.dma_semaphore, #tpu.memory_space<semaphore_mem>>)
      %dma_wait3A_91 = tpu.memref_slice %arg2[%mul3A_46] : memref<204800xi32, #tpu.memory_space<hbm>> -> memref<1600xi32, #tpu.memory_space<hbm>>
      %dma_wait3A_92 = tpu.memref_slice %arg2[%mul3A_46] : memref<204800xi32, #tpu.memory_space<hbm>> -> memref<1600xi32, #tpu.memory_space<hbm>>
      tpu.wait_dma2 semaphore(%run_scoped3A : memref<!tpu.dma_semaphore, #tpu.memory_space<semaphore_mem>>) src(%dma_wait3A_92 : memref<1600xi32, #tpu.memory_space<hbm>>) dst(%arg5 : memref<1600xi32, #tpu.memory_space<vmem>>)
      tpu.yield
    }) : () -> ()
    %scan3A_47 = arith.constant 0 : i32
    %scan3A_48 = arith.constant 0 : i32
    %scan3A_49 = arith.constant 8 : i32
    %scan3A_50 = arith.addi %scan3A_48, %scan3A_49 : i32
    %scan3A_51 = arith.constant 1 : i32
    scf.for %scan3A_89 = %scan3A_48 to %scan3A_50 step %scan3A_51  : i32 {
      %mul3A_90 = arith.constant 4 : i32
      %mul3A_91 = arith.muli %scan3A_89, %mul3A_90 : i32
      %add3A_92 = arith.constant 0 : i32
      %add3A_93 = arith.addi %mul3A_91, %add3A_92 : i32
      %broadcast_in_dim3A_94 = vector.broadcast %add3A_93 : i32 to vector<16xi32>
      %mul3A_95 = arith.constant 50 : i32
      %mul3A_96 = arith.muli %add3A_93, %mul3A_95 : i32
      %add3A_97 = arith.constant 0 : i32
      %add3A_98 = arith.addi %mul3A_96, %add3A_97 : i32
      %get3A = arith.index_cast %add3A_98 : i32 to index
      %get3A_99 = tpu.vector_load %arg5[%get3A] {strides = array<i32>} : memref<1600xi32, #tpu.memory_space<vmem>>, vector<16xi32>,
      tpu.vector_store_idx %arg7[%broadcast_in_dim3A_94, %get3A_99], %broadcast_in_dim3A_5 {add = true} : memref<32x1024xf32, #tpu.memory_space<vmem>>[vector<16xi32>, vector<16xi32>], vector<16xf32>,
      %mul3A_100 = arith.constant 50 : i32
      %mul3A_101 = arith.muli %add3A_93, %mul3A_100 : i32
      %add3A_102 = arith.constant 16 : i32
      %add3A_103 = arith.addi %mul3A_101, %add3A_102 : i32
      %get3A_104 = arith.index_cast %add3A_103 : i32 to index
      %get3A_105 = tpu.vector_load %arg5[%get3A_104] {strides = array<i32>} : memref<1600xi32, #tpu.memory_space<vmem>>, vector<16xi32>,
      tpu.vector_store_idx %arg7[%broadcast_in_dim3A_94, %get3A_105], %broadcast_in_dim3A_5 {add = true} : memref<32x1024xf32, #tpu.memory_space<vmem>>[vector<16xi32>, vector<16xi32>], vector<16xf32>,
      %mul3A_106 = arith.constant 50 : i32
      %mul3A_107 = arith.muli %add3A_93, %mul3A_106 : i32
      %add3A_108 = arith.constant 32 : i32
      %add3A_109 = arith.addi %mul3A_107, %add3A_108 : i32
      %get3A_110 = arith.index_cast %add3A_109 : i32 to index
      %get3A_111 = tpu.vector_load %arg5[%get3A_110] {strides = array<i32>} : memref<1600xi32, #tpu.memory_space<vmem>>, vector<16xi32>,
      tpu.vector_store_idx %arg7[%broadcast_in_dim3A_94, %get3A_111], %broadcast_in_dim3A_5 {add = true} : memref<32x1024xf32, #tpu.memory_space<vmem>>[vector<16xi32>, vector<16xi32>], vector<16xf32>,
      %mul3A_112 = arith.constant 50 : i32
      %mul3A_113 = arith.muli %add3A_93, %mul3A_112 : i32
      %add3A_114 = arith.constant 34 : i32
      %add3A_115 = arith.addi %mul3A_113, %add3A_114 : i32
      %get3A_116 = arith.index_cast %add3A_115 : i32 to index
      %get3A_117 = tpu.vector_load %arg5[%get3A_116] {strides = array<i32>} : memref<1600xi32, #tpu.memory_space<vmem>>, vector<16xi32>,
      tpu.vector_store_idx %arg7[%broadcast_in_dim3A_94, %get3A_117], %broadcast_in_dim3A_5 masked %ge3A_7 {add = true} : memref<32x1024xf32, #tpu.memory_space<vmem>>[vector<16xi32>, vector<16xi32>], vector<16xf32>, vector<16xi1>
      %mul3A_118 = arith.constant 4 : i32
      %mul3A_119 = arith.muli %scan3A_89, %mul3A_118 : i32
      %add3A_120 = arith.constant 1 : i32
      %add3A_121 = arith.addi %mul3A_119, %add3A_120 : i32
      %broadcast_in_dim3A_122 = vector.broadcast %add3A_121 : i32 to vector<16xi32>
      %mul3A_123 = arith.constant 50 : i32
      %mul3A_124 = arith.muli %add3A_121, %mul3A_123 : i32
      %add3A_125 = arith.constant 0 : i32
      %add3A_126 = arith.addi %mul3A_124, %add3A_125 : i32
      %get3A_127 = arith.index_cast %add3A_126 : i32 to index
      %get3A_128 = tpu.vector_load %arg5[%get3A_127] {strides = array<i32>} : memref<1600xi32, #tpu.memory_space<vmem>>, vector<16xi32>,
      tpu.vector_store_idx %arg7[%broadcast_in_dim3A_122, %get3A_128], %broadcast_in_dim3A_5 {add = true} : memref<32x1024xf32, #tpu.memory_space<vmem>>[vector<16xi32>, vector<16xi32>], vector<16xf32>,
      %mul3A_129 = arith.constant 50 : i32
      %mul3A_130 = arith.muli %add3A_121, %mul3A_129 : i32
      %add3A_131 = arith.constant 16 : i32
      %add3A_132 = arith.addi %mul3A_130, %add3A_131 : i32
      %get3A_133 = arith.index_cast %add3A_132 : i32 to index
      %get3A_134 = tpu.vector_load %arg5[%get3A_133] {strides = array<i32>} : memref<1600xi32, #tpu.memory_space<vmem>>, vector<16xi32>,
      tpu.vector_store_idx %arg7[%broadcast_in_dim3A_122, %get3A_134], %broadcast_in_dim3A_5 {add = true} : memref<32x1024xf32, #tpu.memory_space<vmem>>[vector<16xi32>, vector<16xi32>], vector<16xf32>,
      %mul3A_135 = arith.constant 50 : i32
      %mul3A_136 = arith.muli %add3A_121, %mul3A_135 : i32
      %add3A_137 = arith.constant 32 : i32
      %add3A_138 = arith.addi %mul3A_136, %add3A_137 : i32
      %get3A_139 = arith.index_cast %add3A_138 : i32 to index
      %get3A_140 = tpu.vector_load %arg5[%get3A_139] {strides = array<i32>} : memref<1600xi32, #tpu.memory_space<vmem>>, vector<16xi32>,
      tpu.vector_store_idx %arg7[%broadcast_in_dim3A_122, %get3A_140], %broadcast_in_dim3A_5 {add = true} : memref<32x1024xf32, #tpu.memory_space<vmem>>[vector<16xi32>, vector<16xi32>], vector<16xf32>,
      %mul3A_141 = arith.constant 50 : i32
      %mul3A_142 = arith.muli %add3A_121, %mul3A_141 : i32
      %add3A_143 = arith.constant 34 : i32
      %add3A_144 = arith.addi %mul3A_142, %add3A_143 : i32
      %get3A_145 = arith.index_cast %add3A_144 : i32 to index
      %get3A_146 = tpu.vector_load %arg5[%get3A_145] {strides = array<i32>} : memref<1600xi32, #tpu.memory_space<vmem>>, vector<16xi32>,
      tpu.vector_store_idx %arg7[%broadcast_in_dim3A_122, %get3A_146], %broadcast_in_dim3A_5 masked %ge3A_7 {add = true} : memref<32x1024xf32, #tpu.memory_space<vmem>>[vector<16xi32>, vector<16xi32>], vector<16xf32>, vector<16xi1>
      %mul3A_147 = arith.constant 4 : i32
      %mul3A_148 = arith.muli %scan3A_89, %mul3A_147 : i32
      %add3A_149 = arith.constant 2 : i32
      %add3A_150 = arith.addi %mul3A_148, %add3A_149 : i32
      %broadcast_in_dim3A_151 = vector.broadcast %add3A_150 : i32 to vector<16xi32>
      %mul3A_152 = arith.constant 50 : i32
      %mul3A_153 = arith.muli %add3A_150, %mul3A_152 : i32
      %add3A_154 = arith.constant 0 : i32
      %add3A_155 = arith.addi %mul3A_153, %add3A_154 : i32
      %get3A_156 = arith.index_cast %add3A_155 : i32 to index
      %get3A_157 = tpu.vector_load %arg5[%get3A_156] {strides = array<i32>} : memref<1600xi32, #tpu.memory_space<vmem>>, vector<16xi32>,
      tpu.vector_store_idx %arg7[%broadcast_in_dim3A_151, %get3A_157], %broadcast_in_dim3A_5 {add = true} : memref<32x1024xf32, #tpu.memory_space<vmem>>[vector<16xi32>, vector<16xi32>], vector<16xf32>,
      %mul3A_158 = arith.constant 50 : i32
      %mul3A_159 = arith.muli %add3A_150, %mul3A_158 : i32
      %add3A_160 = arith.constant 16 : i32
      %add3A_161 = arith.addi %mul3A_159, %add3A_160 : i32
      %get3A_162 = arith.index_cast %add3A_161 : i32 to index
      %get3A_163 = tpu.vector_load %arg5[%get3A_162] {strides = array<i32>} : memref<1600xi32, #tpu.memory_space<vmem>>, vector<16xi32>,
      tpu.vector_store_idx %arg7[%broadcast_in_dim3A_151, %get3A_163], %broadcast_in_dim3A_5 {add = true} : memref<32x1024xf32, #tpu.memory_space<vmem>>[vector<16xi32>, vector<16xi32>], vector<16xf32>,
      %mul3A_164 = arith.constant 50 : i32
      %mul3A_165 = arith.muli %add3A_150, %mul3A_164 : i32
      %add3A_166 = arith.constant 32 : i32
      %add3A_167 = arith.addi %mul3A_165, %add3A_166 : i32
      %get3A_168 = arith.index_cast %add3A_167 : i32 to index
      %get3A_169 = tpu.vector_load %arg5[%get3A_168] {strides = array<i32>} : memref<1600xi32, #tpu.memory_space<vmem>>, vector<16xi32>,
      tpu.vector_store_idx %arg7[%broadcast_in_dim3A_151, %get3A_169], %broadcast_in_dim3A_5 {add = true} : memref<32x1024xf32, #tpu.memory_space<vmem>>[vector<16xi32>, vector<16xi32>], vector<16xf32>,
      %mul3A_170 = arith.constant 50 : i32
      %mul3A_171 = arith.muli %add3A_150, %mul3A_170 : i32
      %add3A_172 = arith.constant 34 : i32
      %add3A_173 = arith.addi %mul3A_171, %add3A_172 : i32
      %get3A_174 = arith.index_cast %add3A_173 : i32 to index
      %get3A_175 = tpu.vector_load %arg5[%get3A_174] {strides = array<i32>} : memref<1600xi32, #tpu.memory_space<vmem>>, vector<16xi32>,
      tpu.vector_store_idx %arg7[%broadcast_in_dim3A_151, %get3A_175], %broadcast_in_dim3A_5 masked %ge3A_7 {add = true} : memref<32x1024xf32, #tpu.memory_space<vmem>>[vector<16xi32>, vector<16xi32>], vector<16xf32>, vector<16xi1>
      %mul3A_176 = arith.constant 4 : i32
      %mul3A_177 = arith.muli %scan3A_89, %mul3A_176 : i32
      %add3A_178 = arith.constant 3 : i32
      %add3A_179 = arith.addi %mul3A_177, %add3A_178 : i32
      %broadcast_in_dim3A_180 = vector.broadcast %add3A_179 : i32 to vector<16xi32>
      %mul3A_181 = arith.constant 50 : i32
      %mul3A_182 = arith.muli %add3A_179, %mul3A_181 : i32
      %add3A_183 = arith.constant 0 : i32
      %add3A_184 = arith.addi %mul3A_182, %add3A_183 : i32
      %get3A_185 = arith.index_cast %add3A_184 : i32 to index
      %get3A_186 = tpu.vector_load %arg5[%get3A_185] {strides = array<i32>} : memref<1600xi32, #tpu.memory_space<vmem>>, vector<16xi32>,
      tpu.vector_store_idx %arg7[%broadcast_in_dim3A_180, %get3A_186], %broadcast_in_dim3A_5 {add = true} : memref<32x1024xf32, #tpu.memory_space<vmem>>[vector<16xi32>, vector<16xi32>], vector<16xf32>,
      %mul3A_187 = arith.constant 50 : i32
      %mul3A_188 = arith.muli %add3A_179, %mul3A_187 : i32
      %add3A_189 = arith.constant 16 : i32
      %add3A_190 = arith.addi %mul3A_188, %add3A_189 : i32
      %get3A_191 = arith.index_cast %add3A_190 : i32 to index
      %get3A_192 = tpu.vector_load %arg5[%get3A_191] {strides = array<i32>} : memref<1600xi32, #tpu.memory_space<vmem>>, vector<16xi32>,
      tpu.vector_store_idx %arg7[%broadcast_in_dim3A_180, %get3A_192], %broadcast_in_dim3A_5 {add = true} : memref<32x1024xf32, #tpu.memory_space<vmem>>[vector<16xi32>, vector<16xi32>], vector<16xf32>,
      %mul3A_193 = arith.constant 50 : i32
      %mul3A_194 = arith.muli %add3A_179, %mul3A_193 : i32
      %add3A_195 = arith.constant 32 : i32
      %add3A_196 = arith.addi %mul3A_194, %add3A_195 : i32
      %get3A_197 = arith.index_cast %add3A_196 : i32 to index
      %get3A_198 = tpu.vector_load %arg5[%get3A_197] {strides = array<i32>} : memref<1600xi32, #tpu.memory_space<vmem>>, vector<16xi32>,
      tpu.vector_store_idx %arg7[%broadcast_in_dim3A_180, %get3A_198], %broadcast_in_dim3A_5 {add = true} : memref<32x1024xf32, #tpu.memory_space<vmem>>[vector<16xi32>, vector<16xi32>], vector<16xf32>,
      %mul3A_199 = arith.constant 50 : i32
      %mul3A_200 = arith.muli %add3A_179, %mul3A_199 : i32
      %add3A_201 = arith.constant 34 : i32
      %add3A_202 = arith.addi %mul3A_200, %add3A_201 : i32
      %get3A_203 = arith.index_cast %add3A_202 : i32 to index
      %get3A_204 = tpu.vector_load %arg5[%get3A_203] {strides = array<i32>} : memref<1600xi32, #tpu.memory_space<vmem>>, vector<16xi32>,
      tpu.vector_store_idx %arg7[%broadcast_in_dim3A_180, %get3A_204], %broadcast_in_dim3A_5 masked %ge3A_7 {add = true} : memref<32x1024xf32, #tpu.memory_space<vmem>>[vector<16xi32>, vector<16xi32>], vector<16xf32>, vector<16xi1>
    }
    %scan3A_52 = arith.constant 8 : i32
    %dma_start3A_53 = arith.constant 0 : i32
    %dma_start3A_54 = tpu.memref_slice %arg4[%add3A_44, %dma_start3A_53] : memref<4096x1024xf32, #tpu.memory_space<hbm>> -> memref<32x1024xf32, #tpu.memory_space<hbm>>
    %dma_start3A_55 = arith.constant 0 : i32
    %dma_start3A_56 = tpu.memref_slice %arg4[%add3A_44, %dma_start3A_55] : memref<4096x1024xf32, #tpu.memory_space<hbm>> -> memref<32x1024xf32, #tpu.memory_space<hbm>>
    tpu.enqueue_dma source(%arg7 : memref<32x1024xf32, #tpu.memory_space<vmem>>) target(%dma_start3A_56 : memref<32x1024xf32, #tpu.memory_space<hbm>>) target_semaphore(%arg9 : memref<!tpu.dma_semaphore, #tpu.memory_space<semaphore_mem>>)
    %dma_wait3A_57 = arith.constant 0 : i32
    %dma_wait3A_58 = tpu.memref_slice %arg4[%add3A_21, %dma_wait3A_57] : memref<4096x1024xf32, #tpu.memory_space<hbm>> -> memref<32x1024xf32, #tpu.memory_space<hbm>>
    %dma_wait3A_59 = arith.constant 0 : i32
    %dma_wait3A_60 = tpu.memref_slice %arg4[%add3A_21, %dma_wait3A_59] : memref<4096x1024xf32, #tpu.memory_space<hbm>> -> memref<32x1024xf32, #tpu.memory_space<hbm>>
    tpu.wait_dma2 semaphore(%arg10 : memref<!tpu.dma_semaphore, #tpu.memory_space<semaphore_mem>>) src(%arg8 : memref<32x1024xf32, #tpu.memory_space<vmem>>) dst(%dma_wait3A_60 : memref<32x1024xf32, #tpu.memory_space<hbm>>)
    %scan3A_61 = arith.constant 0 : i32
    %scan3A_62 = arith.constant 0 : i32
    %scan3A_63 = arith.constant 8 : i32
    %scan3A_64 = arith.addi %scan3A_62, %scan3A_63 : i32
    %scan3A_65 = arith.constant 1 : i32
    scf.for %scan3A_89 = %scan3A_62 to %scan3A_64 step %scan3A_65  : i32 {
      %mul3A_90 = arith.constant 4 : i32
      %mul3A_91 = arith.muli %scan3A_89, %mul3A_90 : i32
      %add3A_92 = arith.constant 0 : i32
      %add3A_93 = arith.addi %mul3A_91, %add3A_92 : i32
      %broadcast_in_dim3A_94 = vector.broadcast %add3A_93 : i32 to vector<16xi32>
      %mul3A_95 = arith.constant 50 : i32
      %mul3A_96 = arith.muli %add3A_93, %mul3A_95 : i32
      %add3A_97 = arith.constant 0 : i32
      %add3A_98 = arith.addi %mul3A_96, %add3A_97 : i32
      %get3A = arith.index_cast %add3A_98 : i32 to index
      %get3A_99 = tpu.vector_load %arg6[%get3A] {strides = array<i32>} : memref<1600xi32, #tpu.memory_space<vmem>>, vector<16xi32>,
      tpu.vector_store_idx %arg8[%broadcast_in_dim3A_94, %get3A_99], %broadcast_in_dim3A_3 : memref<32x1024xf32, #tpu.memory_space<vmem>>[vector<16xi32>, vector<16xi32>], vector<16xf32>,
      %mul3A_100 = arith.constant 50 : i32
      %mul3A_101 = arith.muli %add3A_93, %mul3A_100 : i32
      %add3A_102 = arith.constant 16 : i32
      %add3A_103 = arith.addi %mul3A_101, %add3A_102 : i32
      %get3A_104 = arith.index_cast %add3A_103 : i32 to index
      %get3A_105 = tpu.vector_load %arg6[%get3A_104] {strides = array<i32>} : memref<1600xi32, #tpu.memory_space<vmem>>, vector<16xi32>,
      tpu.vector_store_idx %arg8[%broadcast_in_dim3A_94, %get3A_105], %broadcast_in_dim3A_3 : memref<32x1024xf32, #tpu.memory_space<vmem>>[vector<16xi32>, vector<16xi32>], vector<16xf32>,
      %mul3A_106 = arith.constant 50 : i32
      %mul3A_107 = arith.muli %add3A_93, %mul3A_106 : i32
      %add3A_108 = arith.constant 32 : i32
      %add3A_109 = arith.addi %mul3A_107, %add3A_108 : i32
      %get3A_110 = arith.index_cast %add3A_109 : i32 to index
      %get3A_111 = tpu.vector_load %arg6[%get3A_110] {strides = array<i32>} : memref<1600xi32, #tpu.memory_space<vmem>>, vector<16xi32>,
      tpu.vector_store_idx %arg8[%broadcast_in_dim3A_94, %get3A_111], %broadcast_in_dim3A_3 : memref<32x1024xf32, #tpu.memory_space<vmem>>[vector<16xi32>, vector<16xi32>], vector<16xf32>,
      %mul3A_112 = arith.constant 50 : i32
      %mul3A_113 = arith.muli %add3A_93, %mul3A_112 : i32
      %add3A_114 = arith.constant 34 : i32
      %add3A_115 = arith.addi %mul3A_113, %add3A_114 : i32
      %get3A_116 = arith.index_cast %add3A_115 : i32 to index
      %get3A_117 = tpu.vector_load %arg6[%get3A_116] {strides = array<i32>} : memref<1600xi32, #tpu.memory_space<vmem>>, vector<16xi32>,
      tpu.vector_store_idx %arg8[%broadcast_in_dim3A_94, %get3A_117], %broadcast_in_dim3A_3 masked %ge3A_7 : memref<32x1024xf32, #tpu.memory_space<vmem>>[vector<16xi32>, vector<16xi32>], vector<16xf32>, vector<16xi1>
      %mul3A_118 = arith.constant 4 : i32
      %mul3A_119 = arith.muli %scan3A_89, %mul3A_118 : i32
      %add3A_120 = arith.constant 1 : i32
      %add3A_121 = arith.addi %mul3A_119, %add3A_120 : i32
      %broadcast_in_dim3A_122 = vector.broadcast %add3A_121 : i32 to vector<16xi32>
      %mul3A_123 = arith.constant 50 : i32
      %mul3A_124 = arith.muli %add3A_121, %mul3A_123 : i32
      %add3A_125 = arith.constant 0 : i32
      %add3A_126 = arith.addi %mul3A_124, %add3A_125 : i32
      %get3A_127 = arith.index_cast %add3A_126 : i32 to index
      %get3A_128 = tpu.vector_load %arg6[%get3A_127] {strides = array<i32>} : memref<1600xi32, #tpu.memory_space<vmem>>, vector<16xi32>,
      tpu.vector_store_idx %arg8[%broadcast_in_dim3A_122, %get3A_128], %broadcast_in_dim3A_3 : memref<32x1024xf32, #tpu.memory_space<vmem>>[vector<16xi32>, vector<16xi32>], vector<16xf32>,
      %mul3A_129 = arith.constant 50 : i32
      %mul3A_130 = arith.muli %add3A_121, %mul3A_129 : i32
      %add3A_131 = arith.constant 16 : i32
      %add3A_132 = arith.addi %mul3A_130, %add3A_131 : i32
      %get3A_133 = arith.index_cast %add3A_132 : i32 to index
      %get3A_134 = tpu.vector_load %arg6[%get3A_133] {strides = array<i32>} : memref<1600xi32, #tpu.memory_space<vmem>>, vector<16xi32>,
      tpu.vector_store_idx %arg8[%broadcast_in_dim3A_122, %get3A_134], %broadcast_in_dim3A_3 : memref<32x1024xf32, #tpu.memory_space<vmem>>[vector<16xi32>, vector<16xi32>], vector<16xf32>,
      %mul3A_135 = arith.constant 50 : i32
      %mul3A_136 = arith.muli %add3A_121, %mul3A_135 : i32
      %add3A_137 = arith.constant 32 : i32
      %add3A_138 = arith.addi %mul3A_136, %add3A_137 : i32
      %get3A_139 = arith.index_cast %add3A_138 : i32 to index
      %get3A_140 = tpu.vector_load %arg6[%get3A_139] {strides = array<i32>} : memref<1600xi32, #tpu.memory_space<vmem>>, vector<16xi32>,
      tpu.vector_store_idx %arg8[%broadcast_in_dim3A_122, %get3A_140], %broadcast_in_dim3A_3 : memref<32x1024xf32, #tpu.memory_space<vmem>>[vector<16xi32>, vector<16xi32>], vector<16xf32>,
      %mul3A_141 = arith.constant 50 : i32
      %mul3A_142 = arith.muli %add3A_121, %mul3A_141 : i32
      %add3A_143 = arith.constant 34 : i32
      %add3A_144 = arith.addi %mul3A_142, %add3A_143 : i32
      %get3A_145 = arith.index_cast %add3A_144 : i32 to index
      %get3A_146 = tpu.vector_load %arg6[%get3A_145] {strides = array<i32>} : memref<1600xi32, #tpu.memory_space<vmem>>, vector<16xi32>,
      tpu.vector_store_idx %arg8[%broadcast_in_dim3A_122, %get3A_146], %broadcast_in_dim3A_3 masked %ge3A_7 : memref<32x1024xf32, #tpu.memory_space<vmem>>[vector<16xi32>, vector<16xi32>], vector<16xf32>, vector<16xi1>
      %mul3A_147 = arith.constant 4 : i32
      %mul3A_148 = arith.muli %scan3A_89, %mul3A_147 : i32
      %add3A_149 = arith.constant 2 : i32
      %add3A_150 = arith.addi %mul3A_148, %add3A_149 : i32
      %broadcast_in_dim3A_151 = vector.broadcast %add3A_150 : i32 to vector<16xi32>
      %mul3A_152 = arith.constant 50 : i32
      %mul3A_153 = arith.muli %add3A_150, %mul3A_152 : i32
      %add3A_154 = arith.constant 0 : i32
      %add3A_155 = arith.addi %mul3A_153, %add3A_154 : i32
      %get3A_156 = arith.index_cast %add3A_155 : i32 to index
      %get3A_157 = tpu.vector_load %arg6[%get3A_156] {strides = array<i32>} : memref<1600xi32, #tpu.memory_space<vmem>>, vector<16xi32>,
      tpu.vector_store_idx %arg8[%broadcast_in_dim3A_151, %get3A_157], %broadcast_in_dim3A_3 : memref<32x1024xf32, #tpu.memory_space<vmem>>[vector<16xi32>, vector<16xi32>], vector<16xf32>,
      %mul3A_158 = arith.constant 50 : i32
      %mul3A_159 = arith.muli %add3A_150, %mul3A_158 : i32
      %add3A_160 = arith.constant 16 : i32
      %add3A_161 = arith.addi %mul3A_159, %add3A_160 : i32
      %get3A_162 = arith.index_cast %add3A_161 : i32 to index
      %get3A_163 = tpu.vector_load %arg6[%get3A_162] {strides = array<i32>} : memref<1600xi32, #tpu.memory_space<vmem>>, vector<16xi32>,
      tpu.vector_store_idx %arg8[%broadcast_in_dim3A_151, %get3A_163], %broadcast_in_dim3A_3 : memref<32x1024xf32, #tpu.memory_space<vmem>>[vector<16xi32>, vector<16xi32>], vector<16xf32>,
      %mul3A_164 = arith.constant 50 : i32
      %mul3A_165 = arith.muli %add3A_150, %mul3A_164 : i32
      %add3A_166 = arith.constant 32 : i32
      %add3A_167 = arith.addi %mul3A_165, %add3A_166 : i32
      %get3A_168 = arith.index_cast %add3A_167 : i32 to index
      %get3A_169 = tpu.vector_load %arg6[%get3A_168] {strides = array<i32>} : memref<1600xi32, #tpu.memory_space<vmem>>, vector<16xi32>,
      tpu.vector_store_idx %arg8[%broadcast_in_dim3A_151, %get3A_169], %broadcast_in_dim3A_3 : memref<32x1024xf32, #tpu.memory_space<vmem>>[vector<16xi32>, vector<16xi32>], vector<16xf32>,
      %mul3A_170 = arith.constant 50 : i32
      %mul3A_171 = arith.muli %add3A_150, %mul3A_170 : i32
      %add3A_172 = arith.constant 34 : i32
      %add3A_173 = arith.addi %mul3A_171, %add3A_172 : i32
      %get3A_174 = arith.index_cast %add3A_173 : i32 to index
      %get3A_175 = tpu.vector_load %arg6[%get3A_174] {strides = array<i32>} : memref<1600xi32, #tpu.memory_space<vmem>>, vector<16xi32>,
      tpu.vector_store_idx %arg8[%broadcast_in_dim3A_151, %get3A_175], %broadcast_in_dim3A_3 masked %ge3A_7 : memref<32x1024xf32, #tpu.memory_space<vmem>>[vector<16xi32>, vector<16xi32>], vector<16xf32>, vector<16xi1>
      %mul3A_176 = arith.constant 4 : i32
      %mul3A_177 = arith.muli %scan3A_89, %mul3A_176 : i32
      %add3A_178 = arith.constant 3 : i32
      %add3A_179 = arith.addi %mul3A_177, %add3A_178 : i32
      %broadcast_in_dim3A_180 = vector.broadcast %add3A_179 : i32 to vector<16xi32>
      %mul3A_181 = arith.constant 50 : i32
      %mul3A_182 = arith.muli %add3A_179, %mul3A_181 : i32
      %add3A_183 = arith.constant 0 : i32
      %add3A_184 = arith.addi %mul3A_182, %add3A_183 : i32
      %get3A_185 = arith.index_cast %add3A_184 : i32 to index
      %get3A_186 = tpu.vector_load %arg6[%get3A_185] {strides = array<i32>} : memref<1600xi32, #tpu.memory_space<vmem>>, vector<16xi32>,
      tpu.vector_store_idx %arg8[%broadcast_in_dim3A_180, %get3A_186], %broadcast_in_dim3A_3 : memref<32x1024xf32, #tpu.memory_space<vmem>>[vector<16xi32>, vector<16xi32>], vector<16xf32>,
      %mul3A_187 = arith.constant 50 : i32
      %mul3A_188 = arith.muli %add3A_179, %mul3A_187 : i32
      %add3A_189 = arith.constant 16 : i32
      %add3A_190 = arith.addi %mul3A_188, %add3A_189 : i32
      %get3A_191 = arith.index_cast %add3A_190 : i32 to index
      %get3A_192 = tpu.vector_load %arg6[%get3A_191] {strides = array<i32>} : memref<1600xi32, #tpu.memory_space<vmem>>, vector<16xi32>,
      tpu.vector_store_idx %arg8[%broadcast_in_dim3A_180, %get3A_192], %broadcast_in_dim3A_3 : memref<32x1024xf32, #tpu.memory_space<vmem>>[vector<16xi32>, vector<16xi32>], vector<16xf32>,
      %mul3A_193 = arith.constant 50 : i32
      %mul3A_194 = arith.muli %add3A_179, %mul3A_193 : i32
      %add3A_195 = arith.constant 32 : i32
      %add3A_196 = arith.addi %mul3A_194, %add3A_195 : i32
      %get3A_197 = arith.index_cast %add3A_196 : i32 to index
      %get3A_198 = tpu.vector_load %arg6[%get3A_197] {strides = array<i32>} : memref<1600xi32, #tpu.memory_space<vmem>>, vector<16xi32>,
      tpu.vector_store_idx %arg8[%broadcast_in_dim3A_180, %get3A_198], %broadcast_in_dim3A_3 : memref<32x1024xf32, #tpu.memory_space<vmem>>[vector<16xi32>, vector<16xi32>], vector<16xf32>,
      %mul3A_199 = arith.constant 50 : i32
      %mul3A_200 = arith.muli %add3A_179, %mul3A_199 : i32
      %add3A_201 = arith.constant 34 : i32
      %add3A_202 = arith.addi %mul3A_200, %add3A_201 : i32
      %get3A_203 = arith.index_cast %add3A_202 : i32 to index
      %get3A_204 = tpu.vector_load %arg6[%get3A_203] {strides = array<i32>} : memref<1600xi32, #tpu.memory_space<vmem>>, vector<16xi32>,
      tpu.vector_store_idx %arg8[%broadcast_in_dim3A_180, %get3A_204], %broadcast_in_dim3A_3 masked %ge3A_7 : memref<32x1024xf32, #tpu.memory_space<vmem>>[vector<16xi32>, vector<16xi32>], vector<16xf32>, vector<16xi1>
    }
    %scan3A_66 = arith.constant 8 : i32
    %add3A_67 = arith.constant 96 : i32
    %add3A_68 = arith.addi %mul3A_2, %add3A_67 : i32
    %mul3A_69 = arith.constant 50 : i32
    %mul3A_70 = arith.muli %add3A_68, %mul3A_69 : i32
    "tpu.region"() ({
      %run_scoped3A = tpu.sem_alloc : memref<!tpu.dma_semaphore, #tpu.memory_space<semaphore_mem>>
      %dma_start3A_89 = tpu.memref_slice %arg2[%mul3A_70] : memref<204800xi32, #tpu.memory_space<hbm>> -> memref<1600xi32, #tpu.memory_space<hbm>>
      %dma_start3A_90 = tpu.memref_slice %arg2[%mul3A_70] : memref<204800xi32, #tpu.memory_space<hbm>> -> memref<1600xi32, #tpu.memory_space<hbm>>
      tpu.enqueue_dma source(%dma_start3A_90 : memref<1600xi32, #tpu.memory_space<hbm>>) target(%arg6 : memref<1600xi32, #tpu.memory_space<vmem>>) target_semaphore(%run_scoped3A : memref<!tpu.dma_semaphore, #tpu.memory_space<semaphore_mem>>)
      %dma_wait3A_91 = tpu.memref_slice %arg2[%mul3A_70] : memref<204800xi32, #tpu.memory_space<hbm>> -> memref<1600xi32, #tpu.memory_space<hbm>>
      %dma_wait3A_92 = tpu.memref_slice %arg2[%mul3A_70] : memref<204800xi32, #tpu.memory_space<hbm>> -> memref<1600xi32, #tpu.memory_space<hbm>>
      tpu.wait_dma2 semaphore(%run_scoped3A : memref<!tpu.dma_semaphore, #tpu.memory_space<semaphore_mem>>) src(%dma_wait3A_92 : memref<1600xi32, #tpu.memory_space<hbm>>) dst(%arg6 : memref<1600xi32, #tpu.memory_space<vmem>>)
      tpu.yield
    }) : () -> ()
    %scan3A_71 = arith.constant 0 : i32
    %scan3A_72 = arith.constant 0 : i32
    %scan3A_73 = arith.constant 8 : i32
    %scan3A_74 = arith.addi %scan3A_72, %scan3A_73 : i32
    %scan3A_75 = arith.constant 1 : i32
    scf.for %scan3A_89 = %scan3A_72 to %scan3A_74 step %scan3A_75  : i32 {
      %mul3A_90 = arith.constant 4 : i32
      %mul3A_91 = arith.muli %scan3A_89, %mul3A_90 : i32
      %add3A_92 = arith.constant 0 : i32
      %add3A_93 = arith.addi %mul3A_91, %add3A_92 : i32
      %broadcast_in_dim3A_94 = vector.broadcast %add3A_93 : i32 to vector<16xi32>
      %mul3A_95 = arith.constant 50 : i32
      %mul3A_96 = arith.muli %add3A_93, %mul3A_95 : i32
      %add3A_97 = arith.constant 0 : i32
      %add3A_98 = arith.addi %mul3A_96, %add3A_97 : i32
      %get3A = arith.index_cast %add3A_98 : i32 to index
      %get3A_99 = tpu.vector_load %arg6[%get3A] {strides = array<i32>} : memref<1600xi32, #tpu.memory_space<vmem>>, vector<16xi32>,
      tpu.vector_store_idx %arg8[%broadcast_in_dim3A_94, %get3A_99], %broadcast_in_dim3A_5 {add = true} : memref<32x1024xf32, #tpu.memory_space<vmem>>[vector<16xi32>, vector<16xi32>], vector<16xf32>,
      %mul3A_100 = arith.constant 50 : i32
      %mul3A_101 = arith.muli %add3A_93, %mul3A_100 : i32
      %add3A_102 = arith.constant 16 : i32
      %add3A_103 = arith.addi %mul3A_101, %add3A_102 : i32
      %get3A_104 = arith.index_cast %add3A_103 : i32 to index
      %get3A_105 = tpu.vector_load %arg6[%get3A_104] {strides = array<i32>} : memref<1600xi32, #tpu.memory_space<vmem>>, vector<16xi32>,
      tpu.vector_store_idx %arg8[%broadcast_in_dim3A_94, %get3A_105], %broadcast_in_dim3A_5 {add = true} : memref<32x1024xf32, #tpu.memory_space<vmem>>[vector<16xi32>, vector<16xi32>], vector<16xf32>,
      %mul3A_106 = arith.constant 50 : i32
      %mul3A_107 = arith.muli %add3A_93, %mul3A_106 : i32
      %add3A_108 = arith.constant 32 : i32
      %add3A_109 = arith.addi %mul3A_107, %add3A_108 : i32
      %get3A_110 = arith.index_cast %add3A_109 : i32 to index
      %get3A_111 = tpu.vector_load %arg6[%get3A_110] {strides = array<i32>} : memref<1600xi32, #tpu.memory_space<vmem>>, vector<16xi32>,
      tpu.vector_store_idx %arg8[%broadcast_in_dim3A_94, %get3A_111], %broadcast_in_dim3A_5 {add = true} : memref<32x1024xf32, #tpu.memory_space<vmem>>[vector<16xi32>, vector<16xi32>], vector<16xf32>,
      %mul3A_112 = arith.constant 50 : i32
      %mul3A_113 = arith.muli %add3A_93, %mul3A_112 : i32
      %add3A_114 = arith.constant 34 : i32
      %add3A_115 = arith.addi %mul3A_113, %add3A_114 : i32
      %get3A_116 = arith.index_cast %add3A_115 : i32 to index
      %get3A_117 = tpu.vector_load %arg6[%get3A_116] {strides = array<i32>} : memref<1600xi32, #tpu.memory_space<vmem>>, vector<16xi32>,
      tpu.vector_store_idx %arg8[%broadcast_in_dim3A_94, %get3A_117], %broadcast_in_dim3A_5 masked %ge3A_7 {add = true} : memref<32x1024xf32, #tpu.memory_space<vmem>>[vector<16xi32>, vector<16xi32>], vector<16xf32>, vector<16xi1>
      %mul3A_118 = arith.constant 4 : i32
      %mul3A_119 = arith.muli %scan3A_89, %mul3A_118 : i32
      %add3A_120 = arith.constant 1 : i32
      %add3A_121 = arith.addi %mul3A_119, %add3A_120 : i32
      %broadcast_in_dim3A_122 = vector.broadcast %add3A_121 : i32 to vector<16xi32>
      %mul3A_123 = arith.constant 50 : i32
      %mul3A_124 = arith.muli %add3A_121, %mul3A_123 : i32
      %add3A_125 = arith.constant 0 : i32
      %add3A_126 = arith.addi %mul3A_124, %add3A_125 : i32
      %get3A_127 = arith.index_cast %add3A_126 : i32 to index
      %get3A_128 = tpu.vector_load %arg6[%get3A_127] {strides = array<i32>} : memref<1600xi32, #tpu.memory_space<vmem>>, vector<16xi32>,
      tpu.vector_store_idx %arg8[%broadcast_in_dim3A_122, %get3A_128], %broadcast_in_dim3A_5 {add = true} : memref<32x1024xf32, #tpu.memory_space<vmem>>[vector<16xi32>, vector<16xi32>], vector<16xf32>,
      %mul3A_129 = arith.constant 50 : i32
      %mul3A_130 = arith.muli %add3A_121, %mul3A_129 : i32
      %add3A_131 = arith.constant 16 : i32
      %add3A_132 = arith.addi %mul3A_130, %add3A_131 : i32
      %get3A_133 = arith.index_cast %add3A_132 : i32 to index
      %get3A_134 = tpu.vector_load %arg6[%get3A_133] {strides = array<i32>} : memref<1600xi32, #tpu.memory_space<vmem>>, vector<16xi32>,
      tpu.vector_store_idx %arg8[%broadcast_in_dim3A_122, %get3A_134], %broadcast_in_dim3A_5 {add = true} : memref<32x1024xf32, #tpu.memory_space<vmem>>[vector<16xi32>, vector<16xi32>], vector<16xf32>,
      %mul3A_135 = arith.constant 50 : i32
      %mul3A_136 = arith.muli %add3A_121, %mul3A_135 : i32
      %add3A_137 = arith.constant 32 : i32
      %add3A_138 = arith.addi %mul3A_136, %add3A_137 : i32
      %get3A_139 = arith.index_cast %add3A_138 : i32 to index
      %get3A_140 = tpu.vector_load %arg6[%get3A_139] {strides = array<i32>} : memref<1600xi32, #tpu.memory_space<vmem>>, vector<16xi32>,
      tpu.vector_store_idx %arg8[%broadcast_in_dim3A_122, %get3A_140], %broadcast_in_dim3A_5 {add = true} : memref<32x1024xf32, #tpu.memory_space<vmem>>[vector<16xi32>, vector<16xi32>], vector<16xf32>,
      %mul3A_141 = arith.constant 50 : i32
      %mul3A_142 = arith.muli %add3A_121, %mul3A_141 : i32
      %add3A_143 = arith.constant 34 : i32
      %add3A_144 = arith.addi %mul3A_142, %add3A_143 : i32
      %get3A_145 = arith.index_cast %add3A_144 : i32 to index
      %get3A_146 = tpu.vector_load %arg6[%get3A_145] {strides = array<i32>} : memref<1600xi32, #tpu.memory_space<vmem>>, vector<16xi32>,
      tpu.vector_store_idx %arg8[%broadcast_in_dim3A_122, %get3A_146], %broadcast_in_dim3A_5 masked %ge3A_7 {add = true} : memref<32x1024xf32, #tpu.memory_space<vmem>>[vector<16xi32>, vector<16xi32>], vector<16xf32>, vector<16xi1>
      %mul3A_147 = arith.constant 4 : i32
      %mul3A_148 = arith.muli %scan3A_89, %mul3A_147 : i32
      %add3A_149 = arith.constant 2 : i32
      %add3A_150 = arith.addi %mul3A_148, %add3A_149 : i32
      %broadcast_in_dim3A_151 = vector.broadcast %add3A_150 : i32 to vector<16xi32>
      %mul3A_152 = arith.constant 50 : i32
      %mul3A_153 = arith.muli %add3A_150, %mul3A_152 : i32
      %add3A_154 = arith.constant 0 : i32
      %add3A_155 = arith.addi %mul3A_153, %add3A_154 : i32
      %get3A_156 = arith.index_cast %add3A_155 : i32 to index
      %get3A_157 = tpu.vector_load %arg6[%get3A_156] {strides = array<i32>} : memref<1600xi32, #tpu.memory_space<vmem>>, vector<16xi32>,
      tpu.vector_store_idx %arg8[%broadcast_in_dim3A_151, %get3A_157], %broadcast_in_dim3A_5 {add = true} : memref<32x1024xf32, #tpu.memory_space<vmem>>[vector<16xi32>, vector<16xi32>], vector<16xf32>,
      %mul3A_158 = arith.constant 50 : i32
      %mul3A_159 = arith.muli %add3A_150, %mul3A_158 : i32
      %add3A_160 = arith.constant 16 : i32
      %add3A_161 = arith.addi %mul3A_159, %add3A_160 : i32
      %get3A_162 = arith.index_cast %add3A_161 : i32 to index
      %get3A_163 = tpu.vector_load %arg6[%get3A_162] {strides = array<i32>} : memref<1600xi32, #tpu.memory_space<vmem>>, vector<16xi32>,
      tpu.vector_store_idx %arg8[%broadcast_in_dim3A_151, %get3A_163], %broadcast_in_dim3A_5 {add = true} : memref<32x1024xf32, #tpu.memory_space<vmem>>[vector<16xi32>, vector<16xi32>], vector<16xf32>,
      %mul3A_164 = arith.constant 50 : i32
      %mul3A_165 = arith.muli %add3A_150, %mul3A_164 : i32
      %add3A_166 = arith.constant 32 : i32
      %add3A_167 = arith.addi %mul3A_165, %add3A_166 : i32
      %get3A_168 = arith.index_cast %add3A_167 : i32 to index
      %get3A_169 = tpu.vector_load %arg6[%get3A_168] {strides = array<i32>} : memref<1600xi32, #tpu.memory_space<vmem>>, vector<16xi32>,
      tpu.vector_store_idx %arg8[%broadcast_in_dim3A_151, %get3A_169], %broadcast_in_dim3A_5 {add = true} : memref<32x1024xf32, #tpu.memory_space<vmem>>[vector<16xi32>, vector<16xi32>], vector<16xf32>,
      %mul3A_170 = arith.constant 50 : i32
      %mul3A_171 = arith.muli %add3A_150, %mul3A_170 : i32
      %add3A_172 = arith.constant 34 : i32
      %add3A_173 = arith.addi %mul3A_171, %add3A_172 : i32
      %get3A_174 = arith.index_cast %add3A_173 : i32 to index
      %get3A_175 = tpu.vector_load %arg6[%get3A_174] {strides = array<i32>} : memref<1600xi32, #tpu.memory_space<vmem>>, vector<16xi32>,
      tpu.vector_store_idx %arg8[%broadcast_in_dim3A_151, %get3A_175], %broadcast_in_dim3A_5 masked %ge3A_7 {add = true} : memref<32x1024xf32, #tpu.memory_space<vmem>>[vector<16xi32>, vector<16xi32>], vector<16xf32>, vector<16xi1>
      %mul3A_176 = arith.constant 4 : i32
      %mul3A_177 = arith.muli %scan3A_89, %mul3A_176 : i32
      %add3A_178 = arith.constant 3 : i32
      %add3A_179 = arith.addi %mul3A_177, %add3A_178 : i32
      %broadcast_in_dim3A_180 = vector.broadcast %add3A_179 : i32 to vector<16xi32>
      %mul3A_181 = arith.constant 50 : i32
      %mul3A_182 = arith.muli %add3A_179, %mul3A_181 : i32
      %add3A_183 = arith.constant 0 : i32
      %add3A_184 = arith.addi %mul3A_182, %add3A_183 : i32
      %get3A_185 = arith.index_cast %add3A_184 : i32 to index
      %get3A_186 = tpu.vector_load %arg6[%get3A_185] {strides = array<i32>} : memref<1600xi32, #tpu.memory_space<vmem>>, vector<16xi32>,
      tpu.vector_store_idx %arg8[%broadcast_in_dim3A_180, %get3A_186], %broadcast_in_dim3A_5 {add = true} : memref<32x1024xf32, #tpu.memory_space<vmem>>[vector<16xi32>, vector<16xi32>], vector<16xf32>,
      %mul3A_187 = arith.constant 50 : i32
      %mul3A_188 = arith.muli %add3A_179, %mul3A_187 : i32
      %add3A_189 = arith.constant 16 : i32
      %add3A_190 = arith.addi %mul3A_188, %add3A_189 : i32
      %get3A_191 = arith.index_cast %add3A_190 : i32 to index
      %get3A_192 = tpu.vector_load %arg6[%get3A_191] {strides = array<i32>} : memref<1600xi32, #tpu.memory_space<vmem>>, vector<16xi32>,
      tpu.vector_store_idx %arg8[%broadcast_in_dim3A_180, %get3A_192], %broadcast_in_dim3A_5 {add = true} : memref<32x1024xf32, #tpu.memory_space<vmem>>[vector<16xi32>, vector<16xi32>], vector<16xf32>,
      %mul3A_193 = arith.constant 50 : i32
      %mul3A_194 = arith.muli %add3A_179, %mul3A_193 : i32
      %add3A_195 = arith.constant 32 : i32
      %add3A_196 = arith.addi %mul3A_194, %add3A_195 : i32
      %get3A_197 = arith.index_cast %add3A_196 : i32 to index
      %get3A_198 = tpu.vector_load %arg6[%get3A_197] {strides = array<i32>} : memref<1600xi32, #tpu.memory_space<vmem>>, vector<16xi32>,
      tpu.vector_store_idx %arg8[%broadcast_in_dim3A_180, %get3A_198], %broadcast_in_dim3A_5 {add = true} : memref<32x1024xf32, #tpu.memory_space<vmem>>[vector<16xi32>, vector<16xi32>], vector<16xf32>,
      %mul3A_199 = arith.constant 50 : i32
      %mul3A_200 = arith.muli %add3A_179, %mul3A_199 : i32
      %add3A_201 = arith.constant 34 : i32
      %add3A_202 = arith.addi %mul3A_200, %add3A_201 : i32
      %get3A_203 = arith.index_cast %add3A_202 : i32 to index
      %get3A_204 = tpu.vector_load %arg6[%get3A_203] {strides = array<i32>} : memref<1600xi32, #tpu.memory_space<vmem>>, vector<16xi32>,
      tpu.vector_store_idx %arg8[%broadcast_in_dim3A_180, %get3A_204], %broadcast_in_dim3A_5 masked %ge3A_7 {add = true} : memref<32x1024xf32, #tpu.memory_space<vmem>>[vector<16xi32>, vector<16xi32>], vector<16xf32>, vector<16xi1>
    }
    %scan3A_76 = arith.constant 8 : i32
    %dma_start3A_77 = arith.constant 0 : i32
    %dma_start3A_78 = tpu.memref_slice %arg4[%add3A_68, %dma_start3A_77] : memref<4096x1024xf32, #tpu.memory_space<hbm>> -> memref<32x1024xf32, #tpu.memory_space<hbm>>
    %dma_start3A_79 = arith.constant 0 : i32
    %dma_start3A_80 = tpu.memref_slice %arg4[%add3A_68, %dma_start3A_79] : memref<4096x1024xf32, #tpu.memory_space<hbm>> -> memref<32x1024xf32, #tpu.memory_space<hbm>>
    tpu.enqueue_dma source(%arg8 : memref<32x1024xf32, #tpu.memory_space<vmem>>) target(%dma_start3A_80 : memref<32x1024xf32, #tpu.memory_space<hbm>>) target_semaphore(%arg10 : memref<!tpu.dma_semaphore, #tpu.memory_space<semaphore_mem>>)
    %dma_wait3A_81 = arith.constant 0 : i32
    %dma_wait3A_82 = tpu.memref_slice %arg4[%add3A_44, %dma_wait3A_81] : memref<4096x1024xf32, #tpu.memory_space<hbm>> -> memref<32x1024xf32, #tpu.memory_space<hbm>>
    %dma_wait3A_83 = arith.constant 0 : i32
    %dma_wait3A_84 = tpu.memref_slice %arg4[%add3A_44, %dma_wait3A_83] : memref<4096x1024xf32, #tpu.memory_space<hbm>> -> memref<32x1024xf32, #tpu.memory_space<hbm>>
    tpu.wait_dma2 semaphore(%arg9 : memref<!tpu.dma_semaphore, #tpu.memory_space<semaphore_mem>>) src(%arg7 : memref<32x1024xf32, #tpu.memory_space<vmem>>) dst(%dma_wait3A_84 : memref<32x1024xf32, #tpu.memory_space<hbm>>)
    %dma_wait3A_85 = arith.constant 0 : i32
    %dma_wait3A_86 = tpu.memref_slice %arg4[%add3A_68, %dma_wait3A_85] : memref<4096x1024xf32, #tpu.memory_space<hbm>> -> memref<32x1024xf32, #tpu.memory_space<hbm>>
    %dma_wait3A_87 = arith.constant 0 : i32
    %dma_wait3A_88 = tpu.memref_slice %arg4[%add3A_68, %dma_wait3A_87] : memref<4096x1024xf32, #tpu.memory_space<hbm>> -> memref<32x1024xf32, #tpu.memory_space<hbm>>
    tpu.wait_dma2 semaphore(%arg10 : memref<!tpu.dma_semaphore, #tpu.memory_space<semaphore_mem>>) src(%arg8 : memref<32x1024xf32, #tpu.memory_space<vmem>>) dst(%dma_wait3A_88 : memref<32x1024xf32, #tpu.memory_space<hbm>>)
    return
  }
}

module attributes {stable_mosaic.version = 14 : i64} {
  func.func @_fused_body(%arg0: i32, %arg1: i32, %arg2: memref<1024x1024xf32, #tpu.memory_space<vmem>>, %arg3: memref<1024x1xi32, #tpu.memory_space<vmem>>, %arg4: memref<1024x1xi32, #tpu.memory_space<vmem>>, %arg5: memref<1024x128xbf16, #tpu.memory_space<vmem>>, %arg6: memref<128x128xbf16, #tpu.memory_space<vmem>>, %arg7: memref<128x128xbf16, #tpu.memory_space<vmem>>, %arg8: memref<512x1024xbf16, #tpu.memory_space<vmem>>, %arg9: memref<1x1024xf32, #tpu.memory_space<vmem>>, %arg10: memref<1x1024xf32, #tpu.memory_space<vmem>>, %arg11: memref<1x1024xf32, #tpu.memory_space<vmem>>, %arg12: memref<1024x1024xbf16, #tpu.memory_space<vmem>>, %arg13: memref<1x1024xf32, #tpu.memory_space<vmem>>, %arg14: memref<1x1024xf32, #tpu.memory_space<vmem>>, %arg15: memref<1x1024xf32, #tpu.memory_space<vmem>>, %arg16: memref<1024x512xbf16, #tpu.memory_space<vmem>>, %arg17: memref<1x512xf32, #tpu.memory_space<vmem>>, %arg18: memref<1x512xf32, #tpu.memory_space<vmem>>, %arg19: memref<1x512xf32, #tpu.memory_space<vmem>>, %arg20: memref<512x1000xbf16, #tpu.memory_space<vmem>>, %arg21: memref<1x1000xf32, #tpu.memory_space<vmem>>, %arg22: memref<1024x1000xf32, #tpu.memory_space<vmem>>, %arg23: memref<4096x1024xbf16, #tpu.memory_space<vmem>>, %arg24: memref<4096x1024xbf16, #tpu.memory_space<vmem>>, %arg25: memref<4096x512xbf16, #tpu.memory_space<vmem>>, %arg26: memref<2x1024xf32, #tpu.memory_space<vmem>>, %arg27: memref<2x1024xf32, #tpu.memory_space<vmem>>, %arg28: memref<2x512xf32, #tpu.memory_space<vmem>>) attributes {dimension_semantics = [#tpu.dimension_semantics<arbitrary>, #tpu.dimension_semantics<arbitrary>], iteration_bounds = array<i64: 4, 4>, scalar_prefetch = 0 : i64, scratch_operands = 6 : i64, tpu.core_type = #tpu.core_type<tc>, window_params = [{transform_indices = @transform_0, window_bounds = array<i64: 1024, 1024>}, {transform_indices = @transform_1, window_bounds = array<i64: 1024, 1>}, {transform_indices = @transform_2, window_bounds = array<i64: 1024, 1>}, {pipeline_mode = #tpu.pipeline_mode<synchronous>, transform_indices = @transform_3, window_bounds = array<i64: 1024, 128>}, {pipeline_mode = #tpu.pipeline_mode<synchronous>, transform_indices = @transform_4, window_bounds = array<i64: 128, 128>}, {pipeline_mode = #tpu.pipeline_mode<synchronous>, transform_indices = @transform_5, window_bounds = array<i64: 128, 128>}, {pipeline_mode = #tpu.pipeline_mode<synchronous>, transform_indices = @transform_6, window_bounds = array<i64: 512, 1024>}, {pipeline_mode = #tpu.pipeline_mode<synchronous>, transform_indices = @transform_7, window_bounds = array<i64: 1, 1024>}, {pipeline_mode = #tpu.pipeline_mode<synchronous>, transform_indices = @transform_8, window_bounds = array<i64: 1, 1024>}, {pipeline_mode = #tpu.pipeline_mode<synchronous>, transform_indices = @transform_9, window_bounds = array<i64: 1, 1024>}, {pipeline_mode = #tpu.pipeline_mode<synchronous>, transform_indices = @transform_10, window_bounds = array<i64: 1024, 1024>}, {pipeline_mode = #tpu.pipeline_mode<synchronous>, transform_indices = @transform_11, window_bounds = array<i64: 1, 1024>}, {pipeline_mode = #tpu.pipeline_mode<synchronous>, transform_indices = @transform_12, window_bounds = array<i64: 1, 1024>}, {pipeline_mode = #tpu.pipeline_mode<synchronous>, transform_indices = @transform_13, window_bounds = array<i64: 1, 1024>}, {pipeline_mode = #tpu.pipeline_mode<synchronous>, transform_indices = @transform_14, window_bounds = array<i64: 1024, 512>}, {pipeline_mode = #tpu.pipeline_mode<synchronous>, transform_indices = @transform_15, window_bounds = array<i64: 1, 512>}, {pipeline_mode = #tpu.pipeline_mode<synchronous>, transform_indices = @transform_16, window_bounds = array<i64: 1, 512>}, {pipeline_mode = #tpu.pipeline_mode<synchronous>, transform_indices = @transform_17, window_bounds = array<i64: 1, 512>}, {pipeline_mode = #tpu.pipeline_mode<synchronous>, transform_indices = @transform_18, window_bounds = array<i64: 512, 1000>}, {pipeline_mode = #tpu.pipeline_mode<synchronous>, transform_indices = @transform_19, window_bounds = array<i64: 1, 1000>}, {transform_indices = @transform_20, window_bounds = array<i64: 1024, 1000>}]} {
    %mul3A = arith.constant 1024 : i32
    %mul3A_0 = arith.muli %arg1, %mul3A : i32
    %eq3A = arith.constant 0 : i32
    %eq3A_1 = arith.cmpi eq, %arg0, %eq3A : i32
    %convert_element_type3A = arith.extui %eq3A_1 : i1 to i32
    %cond3A = arith.constant 0 : i32
    %cond3A_2 = arith.cmpi ne, %convert_element_type3A, %cond3A : i32
    scf.if %cond3A_2 {
      %get3A = arith.constant 0 : index
      %get3A_18 = arith.constant 0 : index
      %get3A_19 = vector.load %arg2[%get3A, %get3A_18] : memref<1024x1024xf32, #tpu.memory_space<vmem>>, vector<1024x1024xf32>
      %convert_element_type3A_20 = arith.truncf %get3A_19 : vector<1024x1024xf32> to vector<1024x1024xbf16>
      %get3A_21 = arith.constant 0 : index
      %get3A_22 = arith.constant 0 : index
      %get3A_23 = vector.load %arg5[%get3A_21, %get3A_22] : memref<1024x128xbf16, #tpu.memory_space<vmem>>, vector<1024x128xbf16>
      %dot_general3A = arith.constant dense<0.000000e+00> : vector<1024x128xf32>
      %dot_general3A_24 = tpu.matmul %convert_element_type3A_20, %get3A_23, %dot_general3A {dimension_numbers = #tpu.dot_dimension_numbers<[1], [0], [0], [1], [0, 0, 1, 1], [], []>, transpose_lhs_hint = false} : vector<1024x1024xbf16>, vector<1024x128xbf16>, vector<1024x128xf32> -> vector<1024x128xf32>
      %get3A_25 = arith.constant 0 : index
      %get3A_26 = arith.constant 0 : index
      %get3A_27 = vector.load %arg2[%get3A_25, %get3A_26] : memref<1024x1024xf32, #tpu.memory_space<vmem>>, vector<1024x1xf32>
      %sub3A = arith.constant 5.000000e+01 : f32
      %sub3A_28 = vector.broadcast %sub3A : f32 to vector<1024x1xf32>
      %sub3A_29 = arith.subf %sub3A_28, %get3A_27 : vector<1024x1xf32>
      %max3A = arith.constant 1.000000e+00 : f32
      %max3A_30 = vector.broadcast %max3A : f32 to vector<1024x1xf32>
      %max3A_31 = arith.maximumf %sub3A_29, %max3A_30 : vector<1024x1xf32>
      %div3A = vector.broadcast %max3A_31 : vector<1024x1xf32> to vector<1024x128xf32>
      %div3A_32 = arith.divf %dot_general3A_24, %div3A : vector<1024x128xf32>
      %iota3A = tpu.iota {dimensions = array<i32: 1>} : vector<1024x128xi32>
      %get3A_33 = arith.constant 0 : index
      %get3A_34 = arith.constant 0 : index
      %get3A_35 = vector.load %arg3[%get3A_33, %get3A_34] : memref<1024x1xi32, #tpu.memory_space<vmem>>, vector<1024x1xi32>
      %eq3A_36 = vector.broadcast %get3A_35 : vector<1024x1xi32> to vector<1024x128xi32>
      %eq3A_37 = arith.cmpi eq, %eq3A_36, %iota3A : vector<1024x128xi32>
      %convert_element_type3A_38 = arith.extui %eq3A_37 : vector<1024x128xi1> to vector<1024x128xi32>
      %convert_element_type3A_39 = arith.sitofp %convert_element_type3A_38 : vector<1024x128xi32> to vector<1024x128xf32>
      %convert_element_type3A_40 = arith.truncf %convert_element_type3A_39 : vector<1024x128xf32> to vector<1024x128xbf16>
      %get3A_41 = arith.constant 0 : index
      %get3A_42 = arith.constant 0 : index
      %get3A_43 = vector.load %arg4[%get3A_41, %get3A_42] : memref<1024x1xi32, #tpu.memory_space<vmem>>, vector<1024x1xi32>
      %eq3A_44 = vector.broadcast %get3A_43 : vector<1024x1xi32> to vector<1024x128xi32>
      %eq3A_45 = arith.cmpi eq, %eq3A_44, %iota3A : vector<1024x128xi32>
      %convert_element_type3A_46 = arith.extui %eq3A_45 : vector<1024x128xi1> to vector<1024x128xi32>
      %convert_element_type3A_47 = arith.sitofp %convert_element_type3A_46 : vector<1024x128xi32> to vector<1024x128xf32>
      %convert_element_type3A_48 = arith.truncf %convert_element_type3A_47 : vector<1024x128xf32> to vector<1024x128xbf16>
      %get3A_49 = arith.constant 0 : index
      %get3A_50 = arith.constant 0 : index
      %get3A_51 = vector.load %arg6[%get3A_49, %get3A_50] : memref<128x128xbf16, #tpu.memory_space<vmem>>, vector<128x128xbf16>
      %dot_general3A_52 = arith.constant dense<0.000000e+00> : vector<1024x128xf32>
      %dot_general3A_53 = tpu.matmul %convert_element_type3A_40, %get3A_51, %dot_general3A_52 {dimension_numbers = #tpu.dot_dimension_numbers<[1], [0], [0], [1], [0, 0, 1, 1], [], []>, transpose_lhs_hint = false} : vector<1024x128xbf16>, vector<128x128xbf16>, vector<1024x128xf32> -> vector<1024x128xf32>
      %get3A_54 = arith.constant 0 : index
      %get3A_55 = arith.constant 0 : index
      %get3A_56 = vector.load %arg7[%get3A_54, %get3A_55] : memref<128x128xbf16, #tpu.memory_space<vmem>>, vector<128x128xbf16>
      %dot_general3A_57 = arith.constant dense<0.000000e+00> : vector<1024x128xf32>
      %dot_general3A_58 = tpu.matmul %convert_element_type3A_48, %get3A_56, %dot_general3A_57 {dimension_numbers = #tpu.dot_dimension_numbers<[1], [0], [0], [1], [0, 0, 1, 1], [], []>, transpose_lhs_hint = false} : vector<1024x128xbf16>, vector<128x128xbf16>, vector<1024x128xf32> -> vector<1024x128xf32>
      %concatenate3A = tpu.concatenate %dot_general3A_24, %div3A_32, %dot_general3A_53, %dot_general3A_58 in 1 : vector<1024x128xf32>, vector<1024x128xf32>, vector<1024x128xf32>, vector<1024x128xf32> -> vector<1024x512xf32>
      %convert_element_type3A_59 = arith.truncf %concatenate3A : vector<1024x512xf32> to vector<1024x512xbf16>
      %get3A_60 = arith.constant 0 : index
      %get3A_61 = arith.constant 0 : index
      %get3A_62 = vector.load %arg8[%get3A_60, %get3A_61] : memref<512x1024xbf16, #tpu.memory_space<vmem>>, vector<512x1024xbf16>
      %dot_general3A_63 = arith.constant dense<0.000000e+00> : vector<1024x1024xf32>
      %dot_general3A_64 = tpu.matmul %convert_element_type3A_59, %get3A_62, %dot_general3A_63 {dimension_numbers = #tpu.dot_dimension_numbers<[1], [0], [0], [1], [0, 0, 1, 1], [], []>, transpose_lhs_hint = false} : vector<1024x512xbf16>, vector<512x1024xbf16>, vector<1024x1024xf32> -> vector<1024x1024xf32>
      %get3A_65 = arith.constant 0 : index
      %get3A_66 = arith.constant 0 : index
      %get3A_67 = vector.load %arg9[%get3A_65, %get3A_66] : memref<1x1024xf32, #tpu.memory_space<vmem>>, vector<1x1024xf32>
      %add3A = vector.broadcast %get3A_67 : vector<1x1024xf32> to vector<1024x1024xf32>
      %add3A_68 = arith.addf %dot_general3A_64, %add3A : vector<1024x1024xf32>
      %max3A_69 = arith.constant 0.000000e+00 : f32
      %max3A_70 = vector.broadcast %max3A_69 : f32 to vector<1024x1024xf32>
      %max3A_71 = arith.maximumf %add3A_68, %max3A_70 : vector<1024x1024xf32>
      %convert_element_type3A_72 = arith.truncf %max3A_71 : vector<1024x1024xf32> to vector<1024x1024xbf16>
      %swap3A = arith.index_cast %mul3A_0 : i32 to index
      %swap3A_73 = arith.constant 0 : index
      %swap3A_74 = vector.load %arg23[%swap3A, %swap3A_73] : memref<4096x1024xbf16, #tpu.memory_space<vmem>>, vector<1024x1024xbf16>
      tpu.vector_store %arg23[%swap3A, %swap3A_73], %convert_element_type3A_72 {strides = array<i32>} : memref<4096x1024xbf16, #tpu.memory_space<vmem>>, vector<1024x1024xbf16>,
      %convert_element_type3A_75 = arith.extf %convert_element_type3A_72 : vector<1024x1024xbf16> to vector<1024x1024xf32>
      %eq3A_76 = arith.constant 0 : i32
      %eq3A_77 = arith.cmpi eq, %arg1, %eq3A_76 : i32
      %convert_element_type3A_78 = arith.extui %eq3A_77 : i1 to i32
      %cond3A_79 = arith.constant 0 : i32
      %cond3A_80 = arith.cmpi ne, %convert_element_type3A_78, %cond3A_79 : i32
      scf.if %cond3A_80 {
        %broadcast_in_dim3A_94 = arith.constant 0.000000e+00 : f32
        %broadcast_in_dim3A_95 = vector.broadcast %broadcast_in_dim3A_94 : f32 to vector<2x1024xf32>
        %swap3A_96 = arith.constant 0 : index
        %swap3A_97 = arith.constant 0 : index
        %swap3A_98 = vector.load %arg26[%swap3A_96, %swap3A_97] : memref<2x1024xf32, #tpu.memory_space<vmem>>, vector<2x1024xf32>
        tpu.vector_store %arg26[%swap3A_96, %swap3A_97], %broadcast_in_dim3A_95 {strides = array<i32>} : memref<2x1024xf32, #tpu.memory_space<vmem>>, vector<2x1024xf32>,
      } else {
      }
      %get3A_81 = arith.constant 0 : index
      %get3A_82 = arith.constant 0 : index
      %get3A_83 = vector.load %arg26[%get3A_81, %get3A_82] : memref<2x1024xf32, #tpu.memory_space<vmem>>, vector<2x1024xf32>
      %reduce_sum3A = arith.constant dense<0.000000e+00> : vector<1024xf32>
      %reduce_sum3A_84 = vector.multi_reduction <add>, %convert_element_type3A_75, %reduce_sum3A [0] : vector<1024x1024xf32> to vector<1024xf32>
      %broadcast_in_dim3A = vector.shape_cast %reduce_sum3A_84 : vector<1024xf32> to vector<1x1024xf32>
      %mul3A_85 = arith.mulf %convert_element_type3A_75, %convert_element_type3A_75 : vector<1024x1024xf32>
      %reduce_sum3A_86 = arith.constant dense<0.000000e+00> : vector<1024xf32>
      %reduce_sum3A_87 = vector.multi_reduction <add>, %mul3A_85, %reduce_sum3A_86 [0] : vector<1024x1024xf32> to vector<1024xf32>
      %broadcast_in_dim3A_88 = vector.shape_cast %reduce_sum3A_87 : vector<1024xf32> to vector<1x1024xf32>
      %concatenate3A_89 = tpu.concatenate %broadcast_in_dim3A, %broadcast_in_dim3A_88 in 0 : vector<1x1024xf32>, vector<1x1024xf32> -> vector<2x1024xf32>
      %add3A_90 = arith.addf %get3A_83, %concatenate3A_89 : vector<2x1024xf32>
      %swap3A_91 = arith.constant 0 : index
      %swap3A_92 = arith.constant 0 : index
      %swap3A_93 = vector.load %arg26[%swap3A_91, %swap3A_92] : memref<2x1024xf32, #tpu.memory_space<vmem>>, vector<2x1024xf32>
      tpu.vector_store %arg26[%swap3A_91, %swap3A_92], %add3A_90 {strides = array<i32>} : memref<2x1024xf32, #tpu.memory_space<vmem>>, vector<2x1024xf32>,
    } else {
    }
    %eq3A_3 = arith.constant 1 : i32
    %eq3A_4 = arith.cmpi eq, %arg0, %eq3A_3 : i32
    %convert_element_type3A_5 = arith.extui %eq3A_4 : i1 to i32
    %cond3A_6 = arith.constant 0 : i32
    %cond3A_7 = arith.cmpi ne, %convert_element_type3A_5, %cond3A_6 : i32
    scf.if %cond3A_7 {
      %get3A = arith.constant 0 : index
      %get3A_18 = arith.constant 0 : index
      %get3A_19 = vector.load %arg26[%get3A, %get3A_18] : memref<2x1024xf32, #tpu.memory_space<vmem>>, vector<1x1024xf32>
      %mul3A_20 = arith.constant 2.44140625E-4 : f32
      %mul3A_21 = vector.broadcast %mul3A_20 : f32 to vector<1x1024xf32>
      %mul3A_22 = arith.mulf %get3A_19, %mul3A_21 : vector<1x1024xf32>
      %get3A_23 = arith.constant 1 : index
      %get3A_24 = arith.constant 0 : index
      %get3A_25 = vector.load %arg26[%get3A_23, %get3A_24] : memref<2x1024xf32, #tpu.memory_space<vmem>>, vector<1x1024xf32>
      %mul3A_26 = arith.constant 2.44140625E-4 : f32
      %mul3A_27 = vector.broadcast %mul3A_26 : f32 to vector<1x1024xf32>
      %mul3A_28 = arith.mulf %get3A_25, %mul3A_27 : vector<1x1024xf32>
      %mul3A_29 = arith.mulf %mul3A_22, %mul3A_22 : vector<1x1024xf32>
      %sub3A = arith.subf %mul3A_28, %mul3A_29 : vector<1x1024xf32>
      %get3A_30 = arith.constant 0 : index
      %get3A_31 = arith.constant 0 : index
      %get3A_32 = vector.load %arg10[%get3A_30, %get3A_31] : memref<1x1024xf32, #tpu.memory_space<vmem>>, vector<1x1024xf32>
      %add3A = arith.constant 9.99999974E-6 : f32
      %add3A_33 = vector.broadcast %add3A : f32 to vector<1x1024xf32>
      %add3A_34 = arith.addf %sub3A, %add3A_33 : vector<1x1024xf32>
      %rsqrt3A = math.rsqrt %add3A_34 : vector<1x1024xf32>
      %mul3A_35 = arith.mulf %get3A_32, %rsqrt3A : vector<1x1024xf32>
      %get3A_36 = arith.constant 0 : index
      %get3A_37 = arith.constant 0 : index
      %get3A_38 = vector.load %arg11[%get3A_36, %get3A_37] : memref<1x1024xf32, #tpu.memory_space<vmem>>, vector<1x1024xf32>
      %mul3A_39 = arith.mulf %mul3A_22, %mul3A_35 : vector<1x1024xf32>
      %sub3A_40 = arith.subf %get3A_38, %mul3A_39 : vector<1x1024xf32>
      %get3A_41 = arith.index_cast %mul3A_0 : i32 to index
      %get3A_42 = arith.constant 0 : index
      %get3A_43 = vector.load %arg23[%get3A_41, %get3A_42] : memref<4096x1024xbf16, #tpu.memory_space<vmem>>, vector<1024x1024xbf16>
      %convert_element_type3A_44 = arith.extf %get3A_43 : vector<1024x1024xbf16> to vector<1024x1024xf32>
      %mul3A_45 = vector.broadcast %mul3A_35 : vector<1x1024xf32> to vector<1024x1024xf32>
      %mul3A_46 = arith.mulf %convert_element_type3A_44, %mul3A_45 : vector<1024x1024xf32>
      %add3A_47 = vector.broadcast %sub3A_40 : vector<1x1024xf32> to vector<1024x1024xf32>
      %add3A_48 = arith.addf %mul3A_46, %add3A_47 : vector<1024x1024xf32>
      %convert_element_type3A_49 = arith.truncf %add3A_48 : vector<1024x1024xf32> to vector<1024x1024xbf16>
      %get3A_50 = arith.constant 0 : index
      %get3A_51 = arith.constant 0 : index
      %get3A_52 = vector.load %arg12[%get3A_50, %get3A_51] : memref<1024x1024xbf16, #tpu.memory_space<vmem>>, vector<1024x1024xbf16>
      %dot_general3A = arith.constant dense<0.000000e+00> : vector<1024x1024xf32>
      %dot_general3A_53 = tpu.matmul %convert_element_type3A_49, %get3A_52, %dot_general3A {dimension_numbers = #tpu.dot_dimension_numbers<[1], [0], [0], [1], [0, 0, 1, 1], [], []>, transpose_lhs_hint = false} : vector<1024x1024xbf16>, vector<1024x1024xbf16>, vector<1024x1024xf32> -> vector<1024x1024xf32>
      %get3A_54 = arith.constant 0 : index
      %get3A_55 = arith.constant 0 : index
      %get3A_56 = vector.load %arg13[%get3A_54, %get3A_55] : memref<1x1024xf32, #tpu.memory_space<vmem>>, vector<1x1024xf32>
      %add3A_57 = vector.broadcast %get3A_56 : vector<1x1024xf32> to vector<1024x1024xf32>
      %add3A_58 = arith.addf %dot_general3A_53, %add3A_57 : vector<1024x1024xf32>
      %max3A = arith.constant 0.000000e+00 : f32
      %max3A_59 = vector.broadcast %max3A : f32 to vector<1024x1024xf32>
      %max3A_60 = arith.maximumf %add3A_58, %max3A_59 : vector<1024x1024xf32>
      %convert_element_type3A_61 = arith.truncf %max3A_60 : vector<1024x1024xf32> to vector<1024x1024xbf16>
      %swap3A = arith.index_cast %mul3A_0 : i32 to index
      %swap3A_62 = arith.constant 0 : index
      %swap3A_63 = vector.load %arg24[%swap3A, %swap3A_62] : memref<4096x1024xbf16, #tpu.memory_space<vmem>>, vector<1024x1024xbf16>
      tpu.vector_store %arg24[%swap3A, %swap3A_62], %convert_element_type3A_61 {strides = array<i32>} : memref<4096x1024xbf16, #tpu.memory_space<vmem>>, vector<1024x1024xbf16>,
      %convert_element_type3A_64 = arith.extf %convert_element_type3A_61 : vector<1024x1024xbf16> to vector<1024x1024xf32>
      %eq3A_65 = arith.constant 0 : i32
      %eq3A_66 = arith.cmpi eq, %arg1, %eq3A_65 : i32
      %convert_element_type3A_67 = arith.extui %eq3A_66 : i1 to i32
      %cond3A_68 = arith.constant 0 : i32
      %cond3A_69 = arith.cmpi ne, %convert_element_type3A_67, %cond3A_68 : i32
      scf.if %cond3A_69 {
        %broadcast_in_dim3A_82 = arith.constant 0.000000e+00 : f32
        %broadcast_in_dim3A_83 = vector.broadcast %broadcast_in_dim3A_82 : f32 to vector<2x1024xf32>
        %swap3A_84 = arith.constant 0 : index
        %swap3A_85 = arith.constant 0 : index
        %swap3A_86 = vector.load %arg27[%swap3A_84, %swap3A_85] : memref<2x1024xf32, #tpu.memory_space<vmem>>, vector<2x1024xf32>
        tpu.vector_store %arg27[%swap3A_84, %swap3A_85], %broadcast_in_dim3A_83 {strides = array<i32>} : memref<2x1024xf32, #tpu.memory_space<vmem>>, vector<2x1024xf32>,
      } else {
      }
      %get3A_70 = arith.constant 0 : index
      %get3A_71 = arith.constant 0 : index
      %get3A_72 = vector.load %arg27[%get3A_70, %get3A_71] : memref<2x1024xf32, #tpu.memory_space<vmem>>, vector<2x1024xf32>
      %reduce_sum3A = arith.constant dense<0.000000e+00> : vector<1024xf32>
      %reduce_sum3A_73 = vector.multi_reduction <add>, %convert_element_type3A_64, %reduce_sum3A [0] : vector<1024x1024xf32> to vector<1024xf32>
      %broadcast_in_dim3A = vector.shape_cast %reduce_sum3A_73 : vector<1024xf32> to vector<1x1024xf32>
      %mul3A_74 = arith.mulf %convert_element_type3A_64, %convert_element_type3A_64 : vector<1024x1024xf32>
      %reduce_sum3A_75 = arith.constant dense<0.000000e+00> : vector<1024xf32>
      %reduce_sum3A_76 = vector.multi_reduction <add>, %mul3A_74, %reduce_sum3A_75 [0] : vector<1024x1024xf32> to vector<1024xf32>
      %broadcast_in_dim3A_77 = vector.shape_cast %reduce_sum3A_76 : vector<1024xf32> to vector<1x1024xf32>
      %concatenate3A = tpu.concatenate %broadcast_in_dim3A, %broadcast_in_dim3A_77 in 0 : vector<1x1024xf32>, vector<1x1024xf32> -> vector<2x1024xf32>
      %add3A_78 = arith.addf %get3A_72, %concatenate3A : vector<2x1024xf32>
      %swap3A_79 = arith.constant 0 : index
      %swap3A_80 = arith.constant 0 : index
      %swap3A_81 = vector.load %arg27[%swap3A_79, %swap3A_80] : memref<2x1024xf32, #tpu.memory_space<vmem>>, vector<2x1024xf32>
      tpu.vector_store %arg27[%swap3A_79, %swap3A_80], %add3A_78 {strides = array<i32>} : memref<2x1024xf32, #tpu.memory_space<vmem>>, vector<2x1024xf32>,
    } else {
    }
    %eq3A_8 = arith.constant 2 : i32
    %eq3A_9 = arith.cmpi eq, %arg0, %eq3A_8 : i32
    %convert_element_type3A_10 = arith.extui %eq3A_9 : i1 to i32
    %cond3A_11 = arith.constant 0 : i32
    %cond3A_12 = arith.cmpi ne, %convert_element_type3A_10, %cond3A_11 : i32
    scf.if %cond3A_12 {
      %get3A = arith.constant 0 : index
      %get3A_18 = arith.constant 0 : index
      %get3A_19 = vector.load %arg27[%get3A, %get3A_18] : memref<2x1024xf32, #tpu.memory_space<vmem>>, vector<1x1024xf32>
      %mul3A_20 = arith.constant 2.44140625E-4 : f32
      %mul3A_21 = vector.broadcast %mul3A_20 : f32 to vector<1x1024xf32>
      %mul3A_22 = arith.mulf %get3A_19, %mul3A_21 : vector<1x1024xf32>
      %get3A_23 = arith.constant 1 : index
      %get3A_24 = arith.constant 0 : index
      %get3A_25 = vector.load %arg27[%get3A_23, %get3A_24] : memref<2x1024xf32, #tpu.memory_space<vmem>>, vector<1x1024xf32>
      %mul3A_26 = arith.constant 2.44140625E-4 : f32
      %mul3A_27 = vector.broadcast %mul3A_26 : f32 to vector<1x1024xf32>
      %mul3A_28 = arith.mulf %get3A_25, %mul3A_27 : vector<1x1024xf32>
      %mul3A_29 = arith.mulf %mul3A_22, %mul3A_22 : vector<1x1024xf32>
      %sub3A = arith.subf %mul3A_28, %mul3A_29 : vector<1x1024xf32>
      %get3A_30 = arith.constant 0 : index
      %get3A_31 = arith.constant 0 : index
      %get3A_32 = vector.load %arg14[%get3A_30, %get3A_31] : memref<1x1024xf32, #tpu.memory_space<vmem>>, vector<1x1024xf32>
      %add3A = arith.constant 9.99999974E-6 : f32
      %add3A_33 = vector.broadcast %add3A : f32 to vector<1x1024xf32>
      %add3A_34 = arith.addf %sub3A, %add3A_33 : vector<1x1024xf32>
      %rsqrt3A = math.rsqrt %add3A_34 : vector<1x1024xf32>
      %mul3A_35 = arith.mulf %get3A_32, %rsqrt3A : vector<1x1024xf32>
      %get3A_36 = arith.constant 0 : index
      %get3A_37 = arith.constant 0 : index
      %get3A_38 = vector.load %arg15[%get3A_36, %get3A_37] : memref<1x1024xf32, #tpu.memory_space<vmem>>, vector<1x1024xf32>
      %mul3A_39 = arith.mulf %mul3A_22, %mul3A_35 : vector<1x1024xf32>
      %sub3A_40 = arith.subf %get3A_38, %mul3A_39 : vector<1x1024xf32>
      %get3A_41 = arith.index_cast %mul3A_0 : i32 to index
      %get3A_42 = arith.constant 0 : index
      %get3A_43 = vector.load %arg24[%get3A_41, %get3A_42] : memref<4096x1024xbf16, #tpu.memory_space<vmem>>, vector<1024x1024xbf16>
      %convert_element_type3A_44 = arith.extf %get3A_43 : vector<1024x1024xbf16> to vector<1024x1024xf32>
      %mul3A_45 = vector.broadcast %mul3A_35 : vector<1x1024xf32> to vector<1024x1024xf32>
      %mul3A_46 = arith.mulf %convert_element_type3A_44, %mul3A_45 : vector<1024x1024xf32>
      %add3A_47 = vector.broadcast %sub3A_40 : vector<1x1024xf32> to vector<1024x1024xf32>
      %add3A_48 = arith.addf %mul3A_46, %add3A_47 : vector<1024x1024xf32>
      %convert_element_type3A_49 = arith.truncf %add3A_48 : vector<1024x1024xf32> to vector<1024x1024xbf16>
      %get3A_50 = arith.constant 0 : index
      %get3A_51 = arith.constant 0 : index
      %get3A_52 = vector.load %arg16[%get3A_50, %get3A_51] : memref<1024x512xbf16, #tpu.memory_space<vmem>>, vector<1024x512xbf16>
      %dot_general3A = arith.constant dense<0.000000e+00> : vector<1024x512xf32>
      %dot_general3A_53 = tpu.matmul %convert_element_type3A_49, %get3A_52, %dot_general3A {dimension_numbers = #tpu.dot_dimension_numbers<[1], [0], [0], [1], [0, 0, 1, 1], [], []>, transpose_lhs_hint = false} : vector<1024x1024xbf16>, vector<1024x512xbf16>, vector<1024x512xf32> -> vector<1024x512xf32>
      %get3A_54 = arith.constant 0 : index
      %get3A_55 = arith.constant 0 : index
      %get3A_56 = vector.load %arg17[%get3A_54, %get3A_55] : memref<1x512xf32, #tpu.memory_space<vmem>>, vector<1x512xf32>
      %add3A_57 = vector.broadcast %get3A_56 : vector<1x512xf32> to vector<1024x512xf32>
      %add3A_58 = arith.addf %dot_general3A_53, %add3A_57 : vector<1024x512xf32>
      %max3A = arith.constant 0.000000e+00 : f32
      %max3A_59 = vector.broadcast %max3A : f32 to vector<1024x512xf32>
      %max3A_60 = arith.maximumf %add3A_58, %max3A_59 : vector<1024x512xf32>
      %convert_element_type3A_61 = arith.truncf %max3A_60 : vector<1024x512xf32> to vector<1024x512xbf16>
      %swap3A = arith.index_cast %mul3A_0 : i32 to index
      %swap3A_62 = arith.constant 0 : index
      %swap3A_63 = vector.load %arg25[%swap3A, %swap3A_62] : memref<4096x512xbf16, #tpu.memory_space<vmem>>, vector<1024x512xbf16>
      tpu.vector_store %arg25[%swap3A, %swap3A_62], %convert_element_type3A_61 {strides = array<i32>} : memref<4096x512xbf16, #tpu.memory_space<vmem>>, vector<1024x512xbf16>,
      %convert_element_type3A_64 = arith.extf %convert_element_type3A_61 : vector<1024x512xbf16> to vector<1024x512xf32>
      %eq3A_65 = arith.constant 0 : i32
      %eq3A_66 = arith.cmpi eq, %arg1, %eq3A_65 : i32
      %convert_element_type3A_67 = arith.extui %eq3A_66 : i1 to i32
      %cond3A_68 = arith.constant 0 : i32
      %cond3A_69 = arith.cmpi ne, %convert_element_type3A_67, %cond3A_68 : i32
      scf.if %cond3A_69 {
        %broadcast_in_dim3A_82 = arith.constant 0.000000e+00 : f32
        %broadcast_in_dim3A_83 = vector.broadcast %broadcast_in_dim3A_82 : f32 to vector<2x512xf32>
        %swap3A_84 = arith.constant 0 : index
        %swap3A_85 = arith.constant 0 : index
        %swap3A_86 = vector.load %arg28[%swap3A_84, %swap3A_85] : memref<2x512xf32, #tpu.memory_space<vmem>>, vector<2x512xf32>
        tpu.vector_store %arg28[%swap3A_84, %swap3A_85], %broadcast_in_dim3A_83 {strides = array<i32>} : memref<2x512xf32, #tpu.memory_space<vmem>>, vector<2x512xf32>,
      } else {
      }
      %get3A_70 = arith.constant 0 : index
      %get3A_71 = arith.constant 0 : index
      %get3A_72 = vector.load %arg28[%get3A_70, %get3A_71] : memref<2x512xf32, #tpu.memory_space<vmem>>, vector<2x512xf32>
      %reduce_sum3A = arith.constant dense<0.000000e+00> : vector<512xf32>
      %reduce_sum3A_73 = vector.multi_reduction <add>, %convert_element_type3A_64, %reduce_sum3A [0] : vector<1024x512xf32> to vector<512xf32>
      %broadcast_in_dim3A = vector.shape_cast %reduce_sum3A_73 : vector<512xf32> to vector<1x512xf32>
      %mul3A_74 = arith.mulf %convert_element_type3A_64, %convert_element_type3A_64 : vector<1024x512xf32>
      %reduce_sum3A_75 = arith.constant dense<0.000000e+00> : vector<512xf32>
      %reduce_sum3A_76 = vector.multi_reduction <add>, %mul3A_74, %reduce_sum3A_75 [0] : vector<1024x512xf32> to vector<512xf32>
      %broadcast_in_dim3A_77 = vector.shape_cast %reduce_sum3A_76 : vector<512xf32> to vector<1x512xf32>
      %concatenate3A = tpu.concatenate %broadcast_in_dim3A, %broadcast_in_dim3A_77 in 0 : vector<1x512xf32>, vector<1x512xf32> -> vector<2x512xf32>
      %add3A_78 = arith.addf %get3A_72, %concatenate3A : vector<2x512xf32>
      %swap3A_79 = arith.constant 0 : index
      %swap3A_80 = arith.constant 0 : index
      %swap3A_81 = vector.load %arg28[%swap3A_79, %swap3A_80] : memref<2x512xf32, #tpu.memory_space<vmem>>, vector<2x512xf32>
      tpu.vector_store %arg28[%swap3A_79, %swap3A_80], %add3A_78 {strides = array<i32>} : memref<2x512xf32, #tpu.memory_space<vmem>>, vector<2x512xf32>,
    } else {
    }
    %eq3A_13 = arith.constant 3 : i32
    %eq3A_14 = arith.cmpi eq, %arg0, %eq3A_13 : i32
    %convert_element_type3A_15 = arith.extui %eq3A_14 : i1 to i32
    %cond3A_16 = arith.constant 0 : i32
    %cond3A_17 = arith.cmpi ne, %convert_element_type3A_15, %cond3A_16 : i32
    scf.if %cond3A_17 {
      %get3A = arith.constant 0 : index
      %get3A_18 = arith.constant 0 : index
      %get3A_19 = vector.load %arg28[%get3A, %get3A_18] : memref<2x512xf32, #tpu.memory_space<vmem>>, vector<1x512xf32>
      %mul3A_20 = arith.constant 2.44140625E-4 : f32
      %mul3A_21 = vector.broadcast %mul3A_20 : f32 to vector<1x512xf32>
      %mul3A_22 = arith.mulf %get3A_19, %mul3A_21 : vector<1x512xf32>
      %get3A_23 = arith.constant 1 : index
      %get3A_24 = arith.constant 0 : index
      %get3A_25 = vector.load %arg28[%get3A_23, %get3A_24] : memref<2x512xf32, #tpu.memory_space<vmem>>, vector<1x512xf32>
      %mul3A_26 = arith.constant 2.44140625E-4 : f32
      %mul3A_27 = vector.broadcast %mul3A_26 : f32 to vector<1x512xf32>
      %mul3A_28 = arith.mulf %get3A_25, %mul3A_27 : vector<1x512xf32>
      %mul3A_29 = arith.mulf %mul3A_22, %mul3A_22 : vector<1x512xf32>
      %sub3A = arith.subf %mul3A_28, %mul3A_29 : vector<1x512xf32>
      %get3A_30 = arith.constant 0 : index
      %get3A_31 = arith.constant 0 : index
      %get3A_32 = vector.load %arg18[%get3A_30, %get3A_31] : memref<1x512xf32, #tpu.memory_space<vmem>>, vector<1x512xf32>
      %add3A = arith.constant 9.99999974E-6 : f32
      %add3A_33 = vector.broadcast %add3A : f32 to vector<1x512xf32>
      %add3A_34 = arith.addf %sub3A, %add3A_33 : vector<1x512xf32>
      %rsqrt3A = math.rsqrt %add3A_34 : vector<1x512xf32>
      %mul3A_35 = arith.mulf %get3A_32, %rsqrt3A : vector<1x512xf32>
      %get3A_36 = arith.constant 0 : index
      %get3A_37 = arith.constant 0 : index
      %get3A_38 = vector.load %arg19[%get3A_36, %get3A_37] : memref<1x512xf32, #tpu.memory_space<vmem>>, vector<1x512xf32>
      %mul3A_39 = arith.mulf %mul3A_22, %mul3A_35 : vector<1x512xf32>
      %sub3A_40 = arith.subf %get3A_38, %mul3A_39 : vector<1x512xf32>
      %get3A_41 = arith.index_cast %mul3A_0 : i32 to index
      %get3A_42 = arith.constant 0 : index
      %get3A_43 = vector.load %arg25[%get3A_41, %get3A_42] : memref<4096x512xbf16, #tpu.memory_space<vmem>>, vector<1024x512xbf16>
      %convert_element_type3A_44 = arith.extf %get3A_43 : vector<1024x512xbf16> to vector<1024x512xf32>
      %mul3A_45 = vector.broadcast %mul3A_35 : vector<1x512xf32> to vector<1024x512xf32>
      %mul3A_46 = arith.mulf %convert_element_type3A_44, %mul3A_45 : vector<1024x512xf32>
      %add3A_47 = vector.broadcast %sub3A_40 : vector<1x512xf32> to vector<1024x512xf32>
      %add3A_48 = arith.addf %mul3A_46, %add3A_47 : vector<1024x512xf32>
      %convert_element_type3A_49 = arith.truncf %add3A_48 : vector<1024x512xf32> to vector<1024x512xbf16>
      %get3A_50 = arith.constant 0 : index
      %get3A_51 = arith.constant 0 : index
      %get3A_52 = vector.load %arg20[%get3A_50, %get3A_51] : memref<512x1000xbf16, #tpu.memory_space<vmem>>, vector<512x1000xbf16>
      %dot_general3A = arith.constant dense<0.000000e+00> : vector<1024x1000xf32>
      %dot_general3A_53 = tpu.matmul %convert_element_type3A_49, %get3A_52, %dot_general3A {dimension_numbers = #tpu.dot_dimension_numbers<[1], [0], [0], [1], [0, 0, 1, 1], [], []>, transpose_lhs_hint = false} : vector<1024x512xbf16>, vector<512x1000xbf16>, vector<1024x1000xf32> -> vector<1024x1000xf32>
      %get3A_54 = arith.constant 0 : index
      %get3A_55 = arith.constant 0 : index
      %get3A_56 = vector.load %arg21[%get3A_54, %get3A_55] : memref<1x1000xf32, #tpu.memory_space<vmem>>, vector<1x1000xf32>
      %add3A_57 = vector.broadcast %get3A_56 : vector<1x1000xf32> to vector<1024x1000xf32>
      %add3A_58 = arith.addf %dot_general3A_53, %add3A_57 : vector<1024x1000xf32>
      %swap3A = arith.constant 0 : index
      %swap3A_59 = arith.constant 0 : index
      %swap3A_60 = vector.load %arg22[%swap3A, %swap3A_59] : memref<1024x1000xf32, #tpu.memory_space<vmem>>, vector<1024x1000xf32>
      tpu.vector_store %arg22[%swap3A, %swap3A_59], %add3A_58 {strides = array<i32>} : memref<1024x1000xf32, #tpu.memory_space<vmem>>, vector<1024x1000xf32>,
    } else {
    }
    return
  }
  func.func @transform_0(%arg0: i32, %arg1: i32) -> (i32, i32) {
    %eq3A = arith.constant 0 : i32
    %eq3A_0 = arith.cmpi eq, %arg0, %eq3A : i32
    %jit3A = arith.constant 0 : i32
    %select_n3A = arith.select %eq3A_0, %arg1, %jit3A : i32
    %c0_i32 = arith.constant 0 : i32
    %c0_i32_1 = arith.constant 0 : i32
    return %select_n3A, %c0_i32 : i32, i32
  }
  func.func @transform_1(%arg0: i32, %arg1: i32) -> (i32, i32) {
    %eq3A = arith.constant 0 : i32
    %eq3A_0 = arith.cmpi eq, %arg0, %eq3A : i32
    %jit3A = arith.constant 0 : i32
    %select_n3A = arith.select %eq3A_0, %arg1, %jit3A : i32
    %c0_i32 = arith.constant 0 : i32
    %c0_i32_1 = arith.constant 0 : i32
    return %select_n3A, %c0_i32 : i32, i32
  }
  func.func @transform_2(%arg0: i32, %arg1: i32) -> (i32, i32) {
    %eq3A = arith.constant 0 : i32
    %eq3A_0 = arith.cmpi eq, %arg0, %eq3A : i32
    %jit3A = arith.constant 0 : i32
    %select_n3A = arith.select %eq3A_0, %arg1, %jit3A : i32
    %c0_i32 = arith.constant 0 : i32
    %c0_i32_1 = arith.constant 0 : i32
    return %select_n3A, %c0_i32 : i32, i32
  }
  func.func @transform_3(%arg0: i32, %arg1: i32) -> (i32, i32) {
    %c0_i32 = arith.constant 0 : i32
    %c0_i32_0 = arith.constant 0 : i32
    %c0_i32_1 = arith.constant 0 : i32
    return %c0_i32, %c0_i32_0 : i32, i32
  }
  func.func @transform_4(%arg0: i32, %arg1: i32) -> (i32, i32) {
    %c0_i32 = arith.constant 0 : i32
    %c0_i32_0 = arith.constant 0 : i32
    %c0_i32_1 = arith.constant 0 : i32
    return %c0_i32, %c0_i32_0 : i32, i32
  }
  func.func @transform_5(%arg0: i32, %arg1: i32) -> (i32, i32) {
    %c0_i32 = arith.constant 0 : i32
    %c0_i32_0 = arith.constant 0 : i32
    %c0_i32_1 = arith.constant 0 : i32
    return %c0_i32, %c0_i32_0 : i32, i32
  }
  func.func @transform_6(%arg0: i32, %arg1: i32) -> (i32, i32) {
    %c0_i32 = arith.constant 0 : i32
    %c0_i32_0 = arith.constant 0 : i32
    %c0_i32_1 = arith.constant 0 : i32
    return %c0_i32, %c0_i32_0 : i32, i32
  }
  func.func @transform_7(%arg0: i32, %arg1: i32) -> (i32, i32) {
    %c0_i32 = arith.constant 0 : i32
    %c0_i32_0 = arith.constant 0 : i32
    %c0_i32_1 = arith.constant 0 : i32
    return %c0_i32, %c0_i32_0 : i32, i32
  }
  func.func @transform_8(%arg0: i32, %arg1: i32) -> (i32, i32) {
    %c0_i32 = arith.constant 0 : i32
    %c0_i32_0 = arith.constant 0 : i32
    %c0_i32_1 = arith.constant 0 : i32
    return %c0_i32, %c0_i32_0 : i32, i32
  }
  func.func @transform_9(%arg0: i32, %arg1: i32) -> (i32, i32) {
    %c0_i32 = arith.constant 0 : i32
    %c0_i32_0 = arith.constant 0 : i32
    %c0_i32_1 = arith.constant 0 : i32
    return %c0_i32, %c0_i32_0 : i32, i32
  }
  func.func @transform_10(%arg0: i32, %arg1: i32) -> (i32, i32) {
    %c0_i32 = arith.constant 0 : i32
    %c0_i32_0 = arith.constant 0 : i32
    %c0_i32_1 = arith.constant 0 : i32
    return %c0_i32, %c0_i32_0 : i32, i32
  }
  func.func @transform_11(%arg0: i32, %arg1: i32) -> (i32, i32) {
    %c0_i32 = arith.constant 0 : i32
    %c0_i32_0 = arith.constant 0 : i32
    %c0_i32_1 = arith.constant 0 : i32
    return %c0_i32, %c0_i32_0 : i32, i32
  }
  func.func @transform_12(%arg0: i32, %arg1: i32) -> (i32, i32) {
    %c0_i32 = arith.constant 0 : i32
    %c0_i32_0 = arith.constant 0 : i32
    %c0_i32_1 = arith.constant 0 : i32
    return %c0_i32, %c0_i32_0 : i32, i32
  }
  func.func @transform_13(%arg0: i32, %arg1: i32) -> (i32, i32) {
    %c0_i32 = arith.constant 0 : i32
    %c0_i32_0 = arith.constant 0 : i32
    %c0_i32_1 = arith.constant 0 : i32
    return %c0_i32, %c0_i32_0 : i32, i32
  }
  func.func @transform_14(%arg0: i32, %arg1: i32) -> (i32, i32) {
    %c0_i32 = arith.constant 0 : i32
    %c0_i32_0 = arith.constant 0 : i32
    %c0_i32_1 = arith.constant 0 : i32
    return %c0_i32, %c0_i32_0 : i32, i32
  }
  func.func @transform_15(%arg0: i32, %arg1: i32) -> (i32, i32) {
    %c0_i32 = arith.constant 0 : i32
    %c0_i32_0 = arith.constant 0 : i32
    %c0_i32_1 = arith.constant 0 : i32
    return %c0_i32, %c0_i32_0 : i32, i32
  }
  func.func @transform_16(%arg0: i32, %arg1: i32) -> (i32, i32) {
    %c0_i32 = arith.constant 0 : i32
    %c0_i32_0 = arith.constant 0 : i32
    %c0_i32_1 = arith.constant 0 : i32
    return %c0_i32, %c0_i32_0 : i32, i32
  }
  func.func @transform_17(%arg0: i32, %arg1: i32) -> (i32, i32) {
    %c0_i32 = arith.constant 0 : i32
    %c0_i32_0 = arith.constant 0 : i32
    %c0_i32_1 = arith.constant 0 : i32
    return %c0_i32, %c0_i32_0 : i32, i32
  }
  func.func @transform_18(%arg0: i32, %arg1: i32) -> (i32, i32) {
    %c0_i32 = arith.constant 0 : i32
    %c0_i32_0 = arith.constant 0 : i32
    %c0_i32_1 = arith.constant 0 : i32
    return %c0_i32, %c0_i32_0 : i32, i32
  }
  func.func @transform_19(%arg0: i32, %arg1: i32) -> (i32, i32) {
    %c0_i32 = arith.constant 0 : i32
    %c0_i32_0 = arith.constant 0 : i32
    %c0_i32_1 = arith.constant 0 : i32
    return %c0_i32, %c0_i32_0 : i32, i32
  }
  func.func @transform_20(%arg0: i32, %arg1: i32) -> (i32, i32) {
    %eq3A = arith.constant 3 : i32
    %eq3A_0 = arith.cmpi eq, %arg0, %eq3A : i32
    %jit3A = arith.constant 0 : i32
    %select_n3A = arith.select %eq3A_0, %arg1, %jit3A : i32
    %c0_i32 = arith.constant 0 : i32
    %c0_i32_1 = arith.constant 0 : i32
    return %select_n3A, %c0_i32 : i32, i32
  }
}

</mosaic_0001>

<sc_bundles>
// kernel: kernel.4.cloned.1.call-start
scs
__scs_entry_jumppad:
0x0: {  	(pc) =	sbr.rel $0x88, $3  }
0x1: {  	(tag) =	ssettag $0x0;
	lr =	simm.s32 $0x1  }
0x2: {  	[smem:$0x3F8D] =	sst lr;
	_ =	strace $0xD0000000  }
0x3: {  	_ = 	snop  }
0x4: {  	_ = 	snop  }
0x5: {  	_ = 	snop  }
0x6: {  	_ = 	snop  }
0x7: {  	_ = 	snop  }
__scs_overlays_trampoline_lowered:
0x8: {  	[smem:$0x3F9C] =	sst s0  }
0x9: {  	[smem:$0x3F9D] =	sst s1  }
0xa: {  	[smem:$0x3F9E] =	sst s2  }
0xb: {  	[smem:$0x3F9F] =	sst s3  }
0xc: {  	[smem:$0x3FA0] =	sst s4  }
0xd: {  	[smem:$0x3FA1] =	sst s5  }
0xe: {  	[smem:$0x3FA2] =	sst s6  }
0xf: {  	[smem:$0x3FA3] =	sst s7  }
0x10: {  	[smem:$0x3FA4] =	sst s8  }
0x11: {  	[smem:$0x3FA5] =	sst s9;
	s0 =	simm.s32 @!p0 $0x0  }
0x12: {  	s1 =	sld [smem:$0x3F8B];
	s0 =	simm.s32 @p0 $0x1  }
0x13: {  	[smem:$0x3FA6] =	sst s0;
	s0 =	simm.s32 @!p1 $0x0  }
0x14: {  	s2 =	sld [smem:$0x3F8A];
	s0 =	simm.s32 @p1 $0x1  }
0x15: {  	[smem:$0x3FA7] =	sst s0;
	s0 =	simm.s32 @!p2 $0x0  }
0x16: {  	s3 =	sld [smem:$0x3FDB];
	s0 =	simm.s32 @p2 $0x1  }
0x17: {  	s4 =	simm.s32 $0x1BF5;
	[smem:$0x3FA9] =	sst s0  }
0x18: {  	s0 =	sld [smem:$0x3F8C];
	_ =	swait.ge [sflag:s4], $0x0  }
0x19: {  	s7 =	sld [smem:$0x3F8D]  }
0x1a: {  	s8 =	sadd.s32 $0xFFFFE003, lr  }
0x1b: {  	s9 =	sadd.s32 $0xFFFFFEF7, lr;
	s5 =	simm.s32 $0xFFFFFFFF;
	p2 =	slt.u32 s8, $0xFFFFF086  }
0x1c: {  	p1 =	slt.u32 s9, $0xF7A;
	s5 =	simm.s32 @!p2 $0x0  }
0x1d: {  	s5 =	simm.s32 @p1 $0x1;
	p0 =	seq.s32 s7, s2  }
0x1e: {  	s7 =	smul.u32 @!p0 $0xF7A, s2;
	p2 =	seq.s32 @!p0 s5, $0x0  }
0x1f: {  	s9 =	smul.u32 $0xF7A, s1;
	s8 =	simm.s32 @!p0 $0x1BF5;
	p2 =	por !p2, p0  }
0x20: {  	[sflag:s8] =	ssyncset.s32 @!p0 $0xFFFFF086;
	s6 =	sadd.s32 @!p0 s3, s7;
	s7 =	simm.s32 @!p0 $0x108  }
0x21: {  	s3 =	sadd.s32 s3, s9;
	s6 =	sadd.s32 @!p0 $0x88, s6;
	s7 =	simm.s32 @p2 $0x1082  }
0x22: {  	[simem:s7], [sflag:s8] =	dma.local @!p0 [hbm:s6], $0xF7A  }
0x23: {  	s9 =	sor.u32 $0xD0000000, s2;
	s6 =	simm.s32 $0x108;
	_ =	swait.ge @!p0 [sflag:s8], $0x0  }
0x24: {  	s3 =	sadd.s32 $0x88, s3;
	s6 =	simm.s32 @!p1 $0x1082;
	[sflag:s4] =	ssyncset.s32 $0xFFFFF086  }
0x25: {  	[simem:s6], [sflag:s4] =	dma.local [hbm:s3], $0xF7A  }
0x26: {  	[smem:$0x3F8D] =	sst s1;
	(tag) =	ssettag s2;
	_ =	strace s9  }
0x27: {  	s1 =	sld [smem:$0x3F9D]  }
0x28: {  	s2 =	sld [smem:$0x3F9E]  }
0x29: {  	s4 =	sld [smem:$0x3FA0]  }
0x2a: {  	p0 =	seq.s32 s5, $0x0;
	s5 =	sld [smem:$0x3FA1]  }
0x2b: {  	s6 =	sld [smem:$0x3FA2]  }
0x2c: {  	s7 =	sld [smem:$0x3FA3]  }
0x2d: {  	s3 =	simm.s32 $0x108;
	s8 =	sld [smem:$0x3FA4]  }
0x2e: {  	s3 =	simm.s32 @!p0 $0x1082;
	s9 =	sld [smem:$0x3FA5]  }
0x2f: {  	lr =	sadd.s32 s0, s3;
	s0 =	sld [smem:$0x3F9C]  }
0x30: {  	s3 =	sld [smem:$0x3F9F]  }
0x31: {  	[smem:$0x3FA8] =	sst s10  }
0x32: {  	s10 =	sld [smem:$0x3FA6];
	_ =	sdelay $0x3  }
0x33: {  	p0 =	seq.s32 s10, $0x1;
	s10 =	sld [smem:$0x3FA8];
	_ =	sdelay $0x3  }
0x34: {  	[smem:$0x3FA8] =	sst s10  }
0x35: {  	s10 =	sld [smem:$0x3FA7];
	_ =	sdelay $0x3  }
0x36: {  	p1 =	seq.s32 s10, $0x1;
	s10 =	sld [smem:$0x3FA8];
	_ =	sdelay $0x3  }
0x37: {  	[smem:$0x3FA8] =	sst s10  }
0x38: {  	s10 =	sld [smem:$0x3FA9]  }
0x39: {  	_ = 	snop;
	(pc) =	sbr.ind lr, $3  }
0x3a: {  	_ = 	snop  }
0x3b: {  	_ = 	snop  }
0x3c: {  	p2 =	seq.s32 s10, $0x1;
	s10 =	sld [smem:$0x3FA8]  }
0x3d: {  	_ =	shalt  }
0x3e: {  	_ =	shalt  }
0x3f: {  	_ =	shalt  }
0x40: {  	_ =	shalt  }
0x41: {  	_ =	shalt  }
0x42: {  	_ =	shalt  }
0x43: {  	_ =	shalt  }
0x44: {  	_ =	shalt  }
0x45: {  	_ =	shalt  }
0x46: {  	_ =	shalt  }
0x47: {  	_ =	shalt  }
0x48: {  	_ =	shalt  }
0x49: {  	_ =	shalt  }
0x4a: {  	_ =	shalt  }
0x4b: {  	_ =	shalt  }
0x4c: {  	_ =	shalt  }
0x4d: {  	_ =	shalt  }
0x4e: {  	_ =	shalt  }
0x4f: {  	_ =	shalt  }
0x50: {  	_ =	shalt  }
0x51: {  	_ =	shalt  }
0x52: {  	_ =	shalt  }
0x53: {  	_ =	shalt  }
0x54: {  	_ =	shalt  }
0x55: {  	_ =	shalt  }
0x56: {  	_ =	shalt  }
0x57: {  	_ =	shalt  }
0x58: {  	_ =	shalt  }
0x59: {  	_ =	shalt  }
0x5a: {  	_ =	shalt  }
0x5b: {  	_ =	shalt  }
0x5c: {  	_ =	shalt  }
0x5d: {  	_ =	shalt  }
0x5e: {  	_ =	shalt  }
0x5f: {  	_ =	shalt  }
0x60: {  	_ =	shalt  }
0x61: {  	_ =	shalt  }
0x62: {  	_ =	shalt  }
0x63: {  	_ =	shalt  }
0x64: {  	_ =	shalt  }
0x65: {  	_ =	shalt  }
0x66: {  	_ =	shalt  }
0x67: {  	_ =	shalt  }
0x68: {  	_ =	shalt  }
0x69: {  	_ =	shalt  }
0x6a: {  	_ =	shalt  }
0x6b: {  	_ =	shalt  }
0x6c: {  	_ =	shalt  }
0x6d: {  	_ =	shalt  }
0x6e: {  	_ =	shalt  }
0x6f: {  	_ =	shalt  }
0x70: {  	_ =	shalt  }
0x71: {  	_ =	shalt  }
0x72: {  	_ =	shalt  }
0x73: {  	_ =	shalt  }
0x74: {  	_ =	shalt  }
0x75: {  	_ =	shalt  }
0x76: {  	_ =	shalt  }
0x77: {  	_ =	shalt  }
0x78: {  	_ =	shalt  }
0x79: {  	_ =	shalt  }
0x7a: {  	_ =	shalt  }
0x7b: {  	_ =	shalt  }
0x7c: {  	_ =	shalt  }
0x7d: {  	_ =	shalt  }
0x7e: {  	_ =	shalt  }
0x7f: {  	_ =	shalt  }
0x80: {  	_ =	shalt  }
0x81: {  	_ =	shalt  }
0x82: {  	_ =	shalt  }
0x83: {  	_ =	shalt  }
0x84: {  	_ =	shalt  }
0x85: {  	_ =	shalt  }
0x86: {  	_ =	shalt  }
0x87: {  	_ =	shalt  }
.Lfunc_end0:
.L_simem_size_0:
called_computation_lowered:
.L_overlay_start_0:
0x88: {  	s2 =	sld [smem:$0x3FD9]  }
0x89: {  	s3 =	sld [smem:$0x3FFE];
	_ =	sdelay $0x1  }
0x8a: {  	s1 =	srdreg.scid  }
0x8b: {  	s0 =	sand.u32 $0x1, s1  }
0x8c: {  	s16 =	sshll.u32 s0, $0xA;
	s2 =	sadd.s32 s3, s2  }
0x8d: {  	s2 =	sadd.s32 s2, s16  }
0x8e: {  	[smem:$0x3FB4] =	sst s2  }
0x8f: {  	_ = 	snop  }
0x90: {  	(tm) =	ssettm $0x1  }
0x91: {  	s17 =	sld [smem:$0x3FFB];
	_ =	sdelay $0x3  }
0x92: {  	_ =	strace s17  }
0x93: {  	s2 =	sld [smem:$0x3FFC];
	_ =	sdelay $0x3  }
0x94: {  	_ =	strace s2  }
0x95: {  	s2 =	sld [smem:$0x3FFD];
	_ =	sdelay $0x3  }
0x96: {  	_ =	strace s2  }
0x97: {  	_ =	strace $0x8FFFFFFF  }
0x98: {  	s18 =	sld [smem:$0x3FDB];
	_ =	sdelay $0x1  }
0x99: {  	s19 =	simm.s32 $_scs_section_size  }
0x9a: {  	s4 =	simm.s32 $_size__tile_overlayer_lowered;
	s5 =	simm.s32 $_tile_overlayer_lowered  }
0x9b: {  	s22 =	simm.s32 $0x1BFF;
	s21 =	sshll.u32 s5, $0x1;
	s2 =	sadd.s32 s19, s18  }
0x9c: {  	s6 =	simm.s32 $0x0;
	s20 =	sshll.u32 s4, $0x1;
	s4 =	sadd.s32 s21, s2  }
0x9d: {  	[timem:s6], [sflag:s22] =	dma.local [hbm:s4], s20  }
0x9e: {  	_ =	swait.ge [sflag:s22], s20  }
0x9f: {  	s3 =	ssub.s32 $0x0, s20;
	[sflag:s22] =	ssyncset.done $0x0  }
0xa0: {  	[sflag:s22] =	ssyncadd.s32 s3;
	_ =	sdelay $0x1  }
0xa1: {  	s23 =	simm.s32 $0x1B8B  }
0xa2: {  	_ =	swait.ge [sflag:s23], $0x1  }
0xa3: {  	[sflag:s23] =	ssyncset.done $0x0  }
0xa4: {  	s25 =	simm.s32 $0x1B8E;
	s24 =	sld [smem:$0x3FFE];
	[sflag:s23] =	ssyncadd.s32 $0xFFFFFFFF  }
0xa5: {  	s26 =	simm.s32 $execute0_lowered;
	[smem:$0x3FD2] =	sst s25  }
0xa6: {  	s4 =	sshll.u32 s26, $0x1;
	_ =	strace $0x80000046;
	[dreg:$0x1] =	wrdreg $0xFFFFFFFF  }
0xa7: {  	s28 =	simm.s32 $_size_execute0_lowered;
	s2 =	sadd.s32 s2, s4;
	[dreg:$0x0] =	wrdreg $0x0  }
0xa8: {  	s4 =	sshll.u32 s28, $0x1;
	[dreg:$0x2] =	wrdreg s2  }
0xa9: {  	[dreg:$0x3] =	wrdreg s4  }
0xaa: {  	[dreg:$0x4] =	wrdreg $0xC0  }
0xab: {  	_ =	task [dreg:s6], $0x5FFFF  }
0xac: {  	[dreg:$0x1] =	wrdreg $0xFFFFFFFF  }
0xad: {  	[dreg:$0x0] =	wrdreg $0x60  }
0xae: {  	[dreg:$0x2] =	wrdreg s24  }
0xaf: {  	[dreg:$0x3] =	wrdreg $0x9  }
0xb0: {  	_ =	task.clear_ibuf [dreg:s6], $0x4FFFF;
	_ =	strace $0x90000046  }
0xb1: {  	s29 =	simm.s32 $0x9;
	_ =	strace $0x80000048  }
0xb2: {  	_ =	swait.ge [sflag:s29], $0x1  }
0xb3: {  	[sflag:s29] =	ssyncadd.s32 $0xFFFFFFFF  }
0xb4: {  	_ =	strace $0x90000048  }
0xb5: {  	_ =	sfence  }
0xb6: {  	s30 =	sld [smem:$0x0];
	_ =	sdelay $0x2  }
0xb7: {  	s31 =	sshll.u32 s1, $0xD;
	s1 =	sshrl.u32 s1, $0x2  }
0xb8: {  	s3 =	sand.u32 $0x4000, s31;
	s1 =	sadd.s32 s1, s30  }
0xb9: {  	s0 =	sor.u32 s3, s0;
	s1 =	sshll.u32 s1, $0x11  }
0xba: {  	s0 =	sor.u32 s1, s0  }
0xbb: {  	s0 =	sadd.s32 $0x8F2B, s0  }
0xbc: {  	[sflag:s0] =	ssyncadd.remote.s32 $0x1  }
0xbd: {  	_ =	sfence.sel $0xFFFF  }
0xbe: {  	[dreg:$0x0] =	wrdreg $0xFFFFFFFF;
	(pc) =	sbr.abs _section_cstart, $3  }
0xbf: {  	[dreg:$0x1] =	wrdreg $0xFFFFFFFF  }
0xc0: {  	_ =	task.clear_ibuf [dreg:s6], $0x2FFFF;
	_ =	strace $0x9FFFFFFF  }
0xc1: {  	(tm) =	ssettm $0x7FFFFFFF  }
tec
execute0_lowered:
.L_overlay_start_1:
0x0: {  	(tag) =	ssettag $0x1  }
0x1: {  	s4 =	rddreg [dreg:$0x0]  }
0x2: {  	s0 =	rddreg [dreg:$0x1]  }
0x3: {  	s2 =	simm.s32 $0x0;
	s3 =	srdreg.scid;
	s1 =	stileid.u32  }
0x4: {  	s16 =	simm.s32 $0x2;
	s17 =	simm.s32 $0x3;
	s18 =	simm.s32 $0x680  }
0x5: {  	s19 =	simm.s32 $0x0;
	[smem:$0x7FF] =	sst s2;
	s5 =	sand.u32 $0x1, s3  }
0x6: {  	s23 =	sshll.u32 s1, $0x1;
	s10 =	sadd.s32 $0x1600, s4;
	s3 =	sadd.s32 $0x7A00, s4  }
0x7: {  	s11 =	sadd.s32 $0x8A00, s4;
	_ =	strace $0x80000047;
	s6 =	sor.u32 s5, s23  }
0x8: {  	s5 =	ssub.s32 $0x2, s5;
	s7 =	smul.u32 $0x320, s6;
	s8 =	sshll.u32 s6, $0x7  }
0x9: {  	s24 =	sshrl.u32 s5, $0x1;
	s26 =	sshll.u32 s6, $0xE;
	s25 =	sor.u32 $0x20, s8  }
0xa: {  	s12 =	ssub.s32 s5, s24;
	s9 =	sor.u32 $0x40, s8;
	s28 =	smul.u32 $0x32, s25  }
0xb: {  	s5 =	sadd.s32 s11, s26;
	s14 =	sor.u32 $0x60, s8;
	s13 =	smul.u32 $0x32, s9  }
0xc: {  	s4 =	sadd.s32 s10, s7;
	s7 =	sshll.u32 s25, $0x7;
	s15 =	smul.u32 $0x32, s14  }
0xd: {  	s9 =	sshll.u32 s9, $0x7;
	s31 =	sshll.u32 s14, $0x7;
	s12 =	smax.u32 s12, $0x1  }
0xe: {  	s14 =	simm.s32 $0x8D00;
	s7 =	sadd.s32 s11, s7;
	s9 =	sadd.s32 s11, s9  }
0xf: {  	s11 =	sadd.s32 s11, s31;
	s6 =	sshrl.u32 s28, $0x3;
	s29 =	sshrl.u32 s13, $0x3  }
0x10: {  	s30 =	sshrl.u32 s15, $0x3;
	s13 =	simm.s32 $0xD00;
	s15 =	simm.s32 $0x1  }
0x11: {  	v0 =	vimm.f32 $1.000000000e+00;
	vm0 =	vcmask $0x3F38;
	v1 =	vimm.f32 $0.0e+00;
	s6 =	sadd.s32 s10, s6;
	s8 =	sadd.s32 s10, s29;
	s10 =	sadd.s32 s10, s30  }
.LBB2_1:
0x12: {  	[tilespmem:s13], [sflag:$0x1] =	stream.linear.gather [hbm4b:s3+s2], $0x8000, $0x38;
	[tilespmem:$0x10D00] =	vst v63  }
0x13: {  	_ = 	snop  }
0x14: {  	[tilespmem:s14], [sflag:$0x2] =	stream.linear.gather [hbm4b:s3+s2], $0x8000, $0x38;
	[tilespmem:$0x10D00] =	vst v63  }
0x15: {  	_ =	swait.ge [sflag:s15], $0x8000  }
0x16: {  	[sflag:s15] =	ssyncset.done $0x0  }
0x17: {  	[sflag:s15] =	ssyncadd.s32 $0xFFFF8000  }
0x18: {  	_ =	swait.ge [sflag:s16], $0x8000  }
0x19: {  	[sflag:s16] =	ssyncset.done $0x0  }
0x1a: {  	[sflag:s16] =	ssyncadd.s32 $0xFFFF8000  }
0x1b: {  	[tilespmem:s2], [sflag:$0x3] =	stream.linear.gather [hbm4b:s4+s2], $0x640, $0x38;
	[tilespmem:$0x10D00] =	vst v63  }
0x1c: {  	_ =	swait.ge [sflag:s17], $0x640  }
0x1d: {  	[sflag:s17] =	ssyncset.done $0x0  }
0x1e: {  	s20 =	simm.s32 $0x64;
	s21 =	simm.s32 $0x0;
	[sflag:s17] =	ssyncadd.s32 $0xFFFFF9C0  }
.LBB2_2:
0x1f: {  	v2 =	vld [tilespmem:s20+$0xFFFFFF9C];
	_ =	sdelay $0x3  }
0x20: {  	v3 =	vmov s21  }
0x21: {  	v4 =	vshll.u32 v3, $0xA;
	v5 =	vshll.u32 v2, $0x3  }
0x22: {  	v4 =	vand.u32 $0x6000, v4;
	v5 =	vand.u32 $0xFFFFFC00, v5  }
0x23: {  	v3 =	vshll.u32 v3, $0x7;
	v2 =	vand.u32 $0x7F, v2;
	v5 =	vadd.s32 v4, v5  }
0x24: {  	v3 =	vand.u32 $0x200, v3;
	v2 =	vor.u32 v2, v5  }
0x25: {  	v2 =	vor.u32 v3, v2;
	_ =	sdelay $0x4  }
0x26: {  	[tilespmem:v2+s13+$0x0] =	vst.idx.add.f32.msk $0xffff, v0  }
0x27: {  	v2 =	vld [tilespmem:s20+$0xFFFFFFAC];
	_ =	sdelay $0x4  }
0x28: {  	v46 =	vshll.u32 v2, $0x3  }
0x29: {  	v5 =	vand.u32 $0xFFFFFC00, v46  }
0x2a: {  	v2 =	vand.u32 $0x7F, v2;
	v5 =	vadd.s32 v4, v5  }
0x2b: {  	v2 =	vor.u32 v2, v5  }
0x2c: {  	v2 =	vor.u32 v3, v2;
	_ =	sdelay $0x4  }
0x2d: {  	[tilespmem:v2+s13+$0x0] =	vst.idx.add.f32.msk $0xffff, v0  }
0x2e: {  	v2 =	vld [tilespmem:s20+$0xFFFFFFBC];
	_ =	sdelay $0x4  }
0x2f: {  	v47 =	vshll.u32 v2, $0x3  }
0x30: {  	v5 =	vand.u32 $0xFFFFFC00, v47  }
0x31: {  	v2 =	vand.u32 $0x7F, v2;
	v5 =	vadd.s32 v4, v5  }
0x32: {  	v2 =	vor.u32 v2, v5  }
0x33: {  	v2 =	vor.u32 v3, v2;
	_ =	sdelay $0x4  }
0x34: {  	[tilespmem:v2+s13+$0x0] =	vst.idx.add.f32.msk $0xffff, v0  }
0x35: {  	v2 =	vld [tilespmem:s20+$0xFFFFFFBE];
	_ =	sdelay $0x4  }
0x36: {  	v48 =	vshll.u32 v2, $0x3  }
0x37: {  	v5 =	vand.u32 $0xFFFFFC00, v48  }
0x38: {  	v2 =	vand.u32 $0x7F, v2;
	v4 =	vadd.s32 v4, v5  }
0x39: {  	v2 =	vor.u32 v2, v4  }
0x3a: {  	v2 =	vor.u32 v3, v2;
	_ =	sdelay $0x4  }
0x3b: {  	[tilespmem:v2+s13+$0x0] =	vst.idx.add.f32.msk vm0, v0  }
0x3c: {  	v2 =	vld [tilespmem:s20+$0xFFFFFFCE];
	_ =	sdelay $0x2  }
0x3d: {  	s22 =	sadd.s32 $0x1, s21  }
0x3e: {  	v3 =	vmov s22  }
0x3f: {  	v49 =	vshll.u32 v3, $0xA;
	v50 =	vshll.u32 v2, $0x3  }
0x40: {  	v4 =	vand.u32 $0x6000, v49;
	v5 =	vand.u32 $0xFFFFFC00, v50  }
0x41: {  	v3 =	vshll.u32 v3, $0x7;
	v2 =	vand.u32 $0x7F, v2;
	v5 =	vadd.s32 v4, v5  }
0x42: {  	v3 =	vand.u32 $0x280, v3;
	v2 =	vor.u32 v2, v5  }
0x43: {  	v2 =	vor.u32 v3, v2;
	_ =	sdelay $0x4  }
0x44: {  	[tilespmem:v2+s13+$0x0] =	vst.idx.add.f32.msk $0xffff, v0  }
0x45: {  	v2 =	vld [tilespmem:s20+$0xFFFFFFDE];
	_ =	sdelay $0x4  }
0x46: {  	v51 =	vshll.u32 v2, $0x3  }
0x47: {  	v5 =	vand.u32 $0xFFFFFC00, v51  }
0x48: {  	v2 =	vand.u32 $0x7F, v2;
	v5 =	vadd.s32 v4, v5  }
0x49: {  	v2 =	vor.u32 v2, v5  }
0x4a: {  	v2 =	vor.u32 v3, v2;
	_ =	sdelay $0x4  }
0x4b: {  	[tilespmem:v2+s13+$0x0] =	vst.idx.add.f32.msk $0xffff, v0  }
0x4c: {  	v2 =	vld [tilespmem:s20+$0xFFFFFFEE];
	_ =	sdelay $0x4  }
0x4d: {  	v52 =	vshll.u32 v2, $0x3  }
0x4e: {  	v5 =	vand.u32 $0xFFFFFC00, v52  }
0x4f: {  	v2 =	vand.u32 $0x7F, v2;
	v5 =	vadd.s32 v4, v5  }
0x50: {  	v2 =	vor.u32 v2, v5  }
0x51: {  	v2 =	vor.u32 v3, v2;
	_ =	sdelay $0x4  }
0x52: {  	[tilespmem:v2+s13+$0x0] =	vst.idx.add.f32.msk $0xffff, v0  }
0x53: {  	v2 =	vld [tilespmem:s20+$0xFFFFFFF0];
	_ =	sdelay $0x4  }
0x54: {  	v53 =	vshll.u32 v2, $0x3  }
0x55: {  	v5 =	vand.u32 $0xFFFFFC00, v53  }
0x56: {  	v2 =	vand.u32 $0x7F, v2;
	v4 =	vadd.s32 v4, v5  }
0x57: {  	v2 =	vor.u32 v2, v4  }
0x58: {  	v2 =	vor.u32 v3, v2;
	_ =	sdelay $0x4  }
0x59: {  	[tilespmem:v2+s13+$0x0] =	vst.idx.add.f32.msk vm0, v0  }
0x5a: {  	v2 =	vld [tilespmem:s20+$0x0];
	_ =	sdelay $0x2  }
0x5b: {  	s30 =	sadd.s32 $0x2, s21  }
0x5c: {  	v3 =	vmov s30  }
0x5d: {  	v54 =	vshll.u32 v3, $0xA;
	v55 =	vshll.u32 v2, $0x3  }
0x5e: {  	v4 =	vand.u32 $0x6000, v54;
	v5 =	vand.u32 $0xFFFFFC00, v55  }
0x5f: {  	v3 =	vshll.u32 v3, $0x7;
	v2 =	vand.u32 $0x7F, v2;
	v5 =	vadd.s32 v4, v5  }
0x60: {  	v3 =	vand.u32 $0x300, v3;
	v2 =	vor.u32 v2, v5  }
0x61: {  	v2 =	vor.u32 v3, v2;
	_ =	sdelay $0x4  }
0x62: {  	[tilespmem:v2+s13+$0x0] =	vst.idx.add.f32.msk $0xffff, v0  }
0x63: {  	v2 =	vld [tilespmem:s20+$0x10];
	_ =	sdelay $0x4  }
0x64: {  	v56 =	vshll.u32 v2, $0x3  }
0x65: {  	v5 =	vand.u32 $0xFFFFFC00, v56  }
0x66: {  	v2 =	vand.u32 $0x7F, v2;
	v5 =	vadd.s32 v4, v5  }
0x67: {  	v2 =	vor.u32 v2, v5  }
0x68: {  	v2 =	vor.u32 v3, v2;
	_ =	sdelay $0x4  }
0x69: {  	[tilespmem:v2+s13+$0x0] =	vst.idx.add.f32.msk $0xffff, v0  }
0x6a: {  	v2 =	vld [tilespmem:s20+$0x20];
	_ =	sdelay $0x4  }
0x6b: {  	v57 =	vshll.u32 v2, $0x3  }
0x6c: {  	v5 =	vand.u32 $0xFFFFFC00, v57  }
0x6d: {  	v2 =	vand.u32 $0x7F, v2;
	v5 =	vadd.s32 v4, v5  }
0x6e: {  	v2 =	vor.u32 v2, v5  }
0x6f: {  	v2 =	vor.u32 v3, v2;
	_ =	sdelay $0x4  }
0x70: {  	[tilespmem:v2+s13+$0x0] =	vst.idx.add.f32.msk $0xffff, v0  }
0x71: {  	v2 =	vld [tilespmem:s20+$0x22];
	_ =	sdelay $0x4  }
0x72: {  	v58 =	vshll.u32 v2, $0x3  }
0x73: {  	v5 =	vand.u32 $0xFFFFFC00, v58  }
0x74: {  	v2 =	vand.u32 $0x7F, v2;
	v4 =	vadd.s32 v4, v5  }
0x75: {  	v2 =	vor.u32 v2, v4  }
0x76: {  	v2 =	vor.u32 v3, v2;
	_ =	sdelay $0x4  }
0x77: {  	[tilespmem:v2+s13+$0x0] =	vst.idx.add.f32.msk vm0, v0  }
0x78: {  	v2 =	vld [tilespmem:s20+$0x32];
	_ =	sdelay $0x2  }
0x79: {  	s31 =	sadd.s32 $0x3, s21  }
0x7a: {  	v3 =	vmov s31  }
0x7b: {  	v59 =	vshll.u32 v3, $0xA;
	v60 =	vshll.u32 v2, $0x3  }
0x7c: {  	v4 =	vand.u32 $0x6000, v59;
	v5 =	vand.u32 $0xFFFFFC00, v60  }
0x7d: {  	v3 =	vshll.u32 v3, $0x7;
	v2 =	vand.u32 $0x7F, v2;
	v5 =	vadd.s32 v4, v5  }
0x7e: {  	v3 =	vand.u32 $0x380, v3;
	v2 =	vor.u32 v2, v5  }
0x7f: {  	v2 =	vor.u32 v3, v2;
	_ =	sdelay $0x4  }
0x80: {  	[tilespmem:v2+s13+$0x0] =	vst.idx.add.f32.msk $0xffff, v0  }
0x81: {  	v2 =	vld [tilespmem:s20+$0x42];
	_ =	sdelay $0x4  }
0x82: {  	v61 =	vshll.u32 v2, $0x3  }
0x83: {  	v5 =	vand.u32 $0xFFFFFC00, v61  }
0x84: {  	v2 =	vand.u32 $0x7F, v2;
	v5 =	vadd.s32 v4, v5  }
0x85: {  	v2 =	vor.u32 v2, v5  }
0x86: {  	v2 =	vor.u32 v3, v2;
	_ =	sdelay $0x4  }
0x87: {  	[tilespmem:v2+s13+$0x0] =	vst.idx.add.f32.msk $0xffff, v0  }
0x88: {  	v2 =	vld [tilespmem:s20+$0x52];
	_ =	sdelay $0x4  }
0x89: {  	v62 =	vshll.u32 v2, $0x3  }
0x8a: {  	v5 =	vand.u32 $0xFFFFFC00, v62  }
0x8b: {  	v2 =	vand.u32 $0x7F, v2;
	v5 =	vadd.s32 v4, v5  }
0x8c: {  	v2 =	vor.u32 v2, v5  }
0x8d: {  	v2 =	vor.u32 v3, v2;
	_ =	sdelay $0x4  }
0x8e: {  	[tilespmem:v2+s13+$0x0] =	vst.idx.add.f32.msk $0xffff, v0  }
0x8f: {  	v2 =	vld [tilespmem:s20+$0x54];
	_ =	sdelay $0x4  }
0x90: {  	v63 =	vshll.u32 v2, $0x3  }
0x91: {  	v5 =	vand.u32 $0xFFFFFC00, v63  }
0x92: {  	v2 =	vand.u32 $0x7F, v2;
	v4 =	vadd.s32 v4, v5  }
0x93: {  	v2 =	vor.u32 v2, v4  }
0x94: {  	p0 =	sne.s32 s21, $0x1C;
	v2 =	vor.u32 v3, v2  }
.Ltmp0:
0x95: {  	_ = 	snop;
	(pc) =	sbr.rel @p0 .LBB2_2-.Ltmp0, $2  }
0x96: {  	_ =	sdelay $0x2  }
0x97: {  	s21 =	sadd.s32 $0x4, s21;
	s20 =	sadd.s32 $0xC8, s20;
	[tilespmem:v2+s13+$0x0] =	vst.idx.add.f32.msk vm0, v0  }
0x98: {  	s20 =	simm.s32 $0x0  }
0x99: {  	[hbm4b:s5+s20] =	stream.linear.scatter [tilespmem:s13], [sflag:$0x1], $0x8000, $0x38;
	[tilespmem:$0x10D00] =	vst v63  }
0x9a: {  	_ = 	snop  }
0x9b: {  	[tilespmem:s18], [sflag:$0x3] =	stream.linear.gather [hbm4b:s6+s20], $0x640, $0x38;
	[tilespmem:$0x10D00] =	vst v63  }
0x9c: {  	_ =	swait.ge [sflag:s17], $0x640  }
0x9d: {  	[sflag:s17] =	ssyncset.done $0x0  }
0x9e: {  	s21 =	simm.s32 $0x6E4;
	[sflag:s17] =	ssyncadd.s32 $0xFFFFF9C0  }
.LBB2_4:
0x9f: {  	v2 =	vld [tilespmem:s21+$0xFFFFFF9C];
	_ =	sdelay $0x3  }
0xa0: {  	v3 =	vmov s20  }
0xa1: {  	v4 =	vshll.u32 v3, $0xA;
	v5 =	vshll.u32 v2, $0x3  }
0xa2: {  	v4 =	vand.u32 $0x6000, v4;
	v5 =	vand.u32 $0xFFFFFC00, v5  }
0xa3: {  	v3 =	vshll.u32 v3, $0x7;
	v2 =	vand.u32 $0x7F, v2;
	v5 =	vadd.s32 v4, v5  }
0xa4: {  	v3 =	vand.u32 $0x200, v3;
	v2 =	vor.u32 v2, v5  }
0xa5: {  	v2 =	vor.u32 v3, v2;
	_ =	sdelay $0x4  }
0xa6: {  	[tilespmem:v2+s14+$0x0] =	vst.idx.add.f32.msk $0xffff, v0  }
0xa7: {  	v2 =	vld [tilespmem:s21+$0xFFFFFFAC];
	_ =	sdelay $0x4  }
0xa8: {  	v46 =	vshll.u32 v2, $0x3  }
0xa9: {  	v5 =	vand.u32 $0xFFFFFC00, v46  }
0xaa: {  	v2 =	vand.u32 $0x7F, v2;
	v5 =	vadd.s32 v4, v5  }
0xab: {  	v2 =	vor.u32 v2, v5  }
0xac: {  	v2 =	vor.u32 v3, v2;
	_ =	sdelay $0x4  }
0xad: {  	[tilespmem:v2+s14+$0x0] =	vst.idx.add.f32.msk $0xffff, v0  }
0xae: {  	v2 =	vld [tilespmem:s21+$0xFFFFFFBC];
	_ =	sdelay $0x4  }
0xaf: {  	v47 =	vshll.u32 v2, $0x3  }
0xb0: {  	v5 =	vand.u32 $0xFFFFFC00, v47  }
0xb1: {  	v2 =	vand.u32 $0x7F, v2;
	v5 =	vadd.s32 v4, v5  }
0xb2: {  	v2 =	vor.u32 v2, v5  }
0xb3: {  	v2 =	vor.u32 v3, v2;
	_ =	sdelay $0x4  }
0xb4: {  	[tilespmem:v2+s14+$0x0] =	vst.idx.add.f32.msk $0xffff, v0  }
0xb5: {  	v2 =	vld [tilespmem:s21+$0xFFFFFFBE];
	_ =	sdelay $0x4  }
0xb6: {  	v48 =	vshll.u32 v2, $0x3  }
0xb7: {  	v5 =	vand.u32 $0xFFFFFC00, v48  }
0xb8: {  	v2 =	vand.u32 $0x7F, v2;
	v4 =	vadd.s32 v4, v5  }
0xb9: {  	v2 =	vor.u32 v2, v4  }
0xba: {  	v2 =	vor.u32 v3, v2;
	_ =	sdelay $0x4  }
0xbb: {  	[tilespmem:v2+s14+$0x0] =	vst.idx.add.f32.msk vm0, v0  }
0xbc: {  	v2 =	vld [tilespmem:s21+$0xFFFFFFCE];
	_ =	sdelay $0x2  }
0xbd: {  	s22 =	sadd.s32 $0x1, s20  }
0xbe: {  	v3 =	vmov s22  }
0xbf: {  	v49 =	vshll.u32 v3, $0xA;
	v50 =	vshll.u32 v2, $0x3  }
0xc0: {  	v4 =	vand.u32 $0x6000, v49;
	v5 =	vand.u32 $0xFFFFFC00, v50  }
0xc1: {  	v3 =	vshll.u32 v3, $0x7;
	v2 =	vand.u32 $0x7F, v2;
	v5 =	vadd.s32 v4, v5  }
0xc2: {  	v3 =	vand.u32 $0x280, v3;
	v2 =	vor.u32 v2, v5  }
0xc3: {  	v2 =	vor.u32 v3, v2;
	_ =	sdelay $0x4  }
0xc4: {  	[tilespmem:v2+s14+$0x0] =	vst.idx.add.f32.msk $0xffff, v0  }
0xc5: {  	v2 =	vld [tilespmem:s21+$0xFFFFFFDE];
	_ =	sdelay $0x4  }
0xc6: {  	v51 =	vshll.u32 v2, $0x3  }
0xc7: {  	v5 =	vand.u32 $0xFFFFFC00, v51  }
0xc8: {  	v2 =	vand.u32 $0x7F, v2;
	v5 =	vadd.s32 v4, v5  }
0xc9: {  	v2 =	vor.u32 v2, v5  }
0xca: {  	v2 =	vor.u32 v3, v2;
	_ =	sdelay $0x4  }
0xcb: {  	[tilespmem:v2+s14+$0x0] =	vst.idx.add.f32.msk $0xffff, v0  }
0xcc: {  	v2 =	vld [tilespmem:s21+$0xFFFFFFEE];
	_ =	sdelay $0x4  }
0xcd: {  	v52 =	vshll.u32 v2, $0x3  }
0xce: {  	v5 =	vand.u32 $0xFFFFFC00, v52  }
0xcf: {  	v2 =	vand.u32 $0x7F, v2;
	v5 =	vadd.s32 v4, v5  }
0xd0: {  	v2 =	vor.u32 v2, v5  }
0xd1: {  	v2 =	vor.u32 v3, v2;
	_ =	sdelay $0x4  }
0xd2: {  	[tilespmem:v2+s14+$0x0] =	vst.idx.add.f32.msk $0xffff, v0  }
0xd3: {  	v2 =	vld [tilespmem:s21+$0xFFFFFFF0];
	_ =	sdelay $0x4  }
0xd4: {  	v53 =	vshll.u32 v2, $0x3  }
0xd5: {  	v5 =	vand.u32 $0xFFFFFC00, v53  }
0xd6: {  	v2 =	vand.u32 $0x7F, v2;
	v4 =	vadd.s32 v4, v5  }
0xd7: {  	v2 =	vor.u32 v2, v4  }
0xd8: {  	v2 =	vor.u32 v3, v2;
	_ =	sdelay $0x4  }
0xd9: {  	[tilespmem:v2+s14+$0x0] =	vst.idx.add.f32.msk vm0, v0  }
0xda: {  	v2 =	vld [tilespmem:s21+$0x0];
	_ =	sdelay $0x2  }
0xdb: {  	s30 =	sadd.s32 $0x2, s20  }
0xdc: {  	v3 =	vmov s30  }
0xdd: {  	v54 =	vshll.u32 v3, $0xA;
	v55 =	vshll.u32 v2, $0x3  }
0xde: {  	v4 =	vand.u32 $0x6000, v54;
	v5 =	vand.u32 $0xFFFFFC00, v55  }
0xdf: {  	v3 =	vshll.u32 v3, $0x7;
	v2 =	vand.u32 $0x7F, v2;
	v5 =	vadd.s32 v4, v5  }
0xe0: {  	v3 =	vand.u32 $0x300, v3;
	v2 =	vor.u32 v2, v5  }
0xe1: {  	v2 =	vor.u32 v3, v2;
	_ =	sdelay $0x4  }
0xe2: {  	[tilespmem:v2+s14+$0x0] =	vst.idx.add.f32.msk $0xffff, v0  }
0xe3: {  	v2 =	vld [tilespmem:s21+$0x10];
	_ =	sdelay $0x4  }
0xe4: {  	v56 =	vshll.u32 v2, $0x3  }
0xe5: {  	v5 =	vand.u32 $0xFFFFFC00, v56  }
0xe6: {  	v2 =	vand.u32 $0x7F, v2;
	v5 =	vadd.s32 v4, v5  }
0xe7: {  	v2 =	vor.u32 v2, v5  }
0xe8: {  	v2 =	vor.u32 v3, v2;
	_ =	sdelay $0x4  }
0xe9: {  	[tilespmem:v2+s14+$0x0] =	vst.idx.add.f32.msk $0xffff, v0  }
0xea: {  	v2 =	vld [tilespmem:s21+$0x20];
	_ =	sdelay $0x4  }
0xeb: {  	v57 =	vshll.u32 v2, $0x3  }
0xec: {  	v5 =	vand.u32 $0xFFFFFC00, v57  }
0xed: {  	v2 =	vand.u32 $0x7F, v2;
	v5 =	vadd.s32 v4, v5  }
0xee: {  	v2 =	vor.u32 v2, v5  }
0xef: {  	v2 =	vor.u32 v3, v2;
	_ =	sdelay $0x4  }
0xf0: {  	[tilespmem:v2+s14+$0x0] =	vst.idx.add.f32.msk $0xffff, v0  }
0xf1: {  	v2 =	vld [tilespmem:s21+$0x22];
	_ =	sdelay $0x4  }
0xf2: {  	v58 =	vshll.u32 v2, $0x3  }
0xf3: {  	v5 =	vand.u32 $0xFFFFFC00, v58  }
0xf4: {  	v2 =	vand.u32 $0x7F, v2;
	v4 =	vadd.s32 v4, v5  }
0xf5: {  	v2 =	vor.u32 v2, v4  }
0xf6: {  	v2 =	vor.u32 v3, v2;
	_ =	sdelay $0x4  }
0xf7: {  	[tilespmem:v2+s14+$0x0] =	vst.idx.add.f32.msk vm0, v0  }
0xf8: {  	v2 =	vld [tilespmem:s21+$0x32];
	_ =	sdelay $0x2  }
0xf9: {  	s31 =	sadd.s32 $0x3, s20  }
0xfa: {  	v3 =	vmov s31  }
0xfb: {  	v59 =	vshll.u32 v3, $0xA;
	v60 =	vshll.u32 v2, $0x3  }
0xfc: {  	v4 =	vand.u32 $0x6000, v59;
	v5 =	vand.u32 $0xFFFFFC00, v60  }
0xfd: {  	v3 =	vshll.u32 v3, $0x7;
	v2 =	vand.u32 $0x7F, v2;
	v5 =	vadd.s32 v4, v5  }
0xfe: {  	v3 =	vand.u32 $0x380, v3;
	v2 =	vor.u32 v2, v5  }
0xff: {  	v2 =	vor.u32 v3, v2;
	_ =	sdelay $0x4  }
0x100: {  	[tilespmem:v2+s14+$0x0] =	vst.idx.add.f32.msk $0xffff, v0  }
0x101: {  	v2 =	vld [tilespmem:s21+$0x42];
	_ =	sdelay $0x4  }
0x102: {  	v61 =	vshll.u32 v2, $0x3  }
0x103: {  	v5 =	vand.u32 $0xFFFFFC00, v61  }
0x104: {  	v2 =	vand.u32 $0x7F, v2;
	v5 =	vadd.s32 v4, v5  }
0x105: {  	v2 =	vor.u32 v2, v5  }
0x106: {  	v2 =	vor.u32 v3, v2;
	_ =	sdelay $0x4  }
0x107: {  	[tilespmem:v2+s14+$0x0] =	vst.idx.add.f32.msk $0xffff, v0  }
0x108: {  	v2 =	vld [tilespmem:s21+$0x52];
	_ =	sdelay $0x4  }
0x109: {  	v62 =	vshll.u32 v2, $0x3  }
0x10a: {  	v5 =	vand.u32 $0xFFFFFC00, v62  }
0x10b: {  	v2 =	vand.u32 $0x7F, v2;
	v5 =	vadd.s32 v4, v5  }
0x10c: {  	v2 =	vor.u32 v2, v5  }
0x10d: {  	v2 =	vor.u32 v3, v2;
	_ =	sdelay $0x4  }
0x10e: {  	[tilespmem:v2+s14+$0x0] =	vst.idx.add.f32.msk $0xffff, v0  }
0x10f: {  	v2 =	vld [tilespmem:s21+$0x54];
	_ =	sdelay $0x4  }
0x110: {  	v63 =	vshll.u32 v2, $0x3  }
0x111: {  	v5 =	vand.u32 $0xFFFFFC00, v63  }
0x112: {  	v2 =	vand.u32 $0x7F, v2;
	v4 =	vadd.s32 v4, v5  }
0x113: {  	v2 =	vor.u32 v2, v4  }
0x114: {  	p0 =	sne.s32 s20, $0x1C;
	v2 =	vor.u32 v3, v2  }
.Ltmp1:
0x115: {  	_ = 	snop;
	(pc) =	sbr.rel @p0 .LBB2_4-.Ltmp1, $2  }
0x116: {  	_ =	sdelay $0x2  }
0x117: {  	s20 =	sadd.s32 $0x4, s20;
	s21 =	sadd.s32 $0xC8, s21;
	[tilespmem:v2+s14+$0x0] =	vst.idx.add.f32.msk vm0, v0  }
0x118: {  	s20 =	simm.s32 $0x0  }
0x119: {  	[hbm4b:s7+s20] =	stream.linear.scatter [tilespmem:s14], [sflag:$0x2], $0x8000, $0x38;
	[tilespmem:$0x10D00] =	vst v63  }
0x11a: {  	_ =	swait.ge [sflag:s15], $0x8000  }
0x11b: {  	[sflag:s15] =	ssyncset.done $0x0  }
0x11c: {  	s21 =	simm.s32 $0x64;
	[sflag:s15] =	ssyncadd.s32 $0xFFFF8000  }
.LBB2_6:
0x11d: {  	v2 =	vld [tilespmem:s21+$0xFFFFFF9C];
	_ =	sdelay $0x3  }
0x11e: {  	v3 =	vmov s20  }
0x11f: {  	v4 =	vshll.u32 v3, $0xA;
	v5 =	vshll.u32 v2, $0x3  }
0x120: {  	v4 =	vand.u32 $0x6000, v4;
	v5 =	vand.u32 $0xFFFFFC00, v5  }
0x121: {  	v3 =	vshll.u32 v3, $0x7;
	v2 =	vand.u32 $0x7F, v2;
	v5 =	vadd.s32 v4, v5  }
0x122: {  	v3 =	vand.u32 $0x200, v3;
	v2 =	vor.u32 v2, v5  }
0x123: {  	v2 =	vor.u32 v3, v2;
	_ =	sdelay $0x4  }
0x124: {  	[tilespmem:v2+s13+$0x0] =	vst.idx.msk $0xffff, v1  }
0x125: {  	v2 =	vld [tilespmem:s21+$0xFFFFFFAC];
	_ =	sdelay $0x4  }
0x126: {  	v46 =	vshll.u32 v2, $0x3  }
0x127: {  	v5 =	vand.u32 $0xFFFFFC00, v46  }
0x128: {  	v2 =	vand.u32 $0x7F, v2;
	v5 =	vadd.s32 v4, v5  }
0x129: {  	v2 =	vor.u32 v2, v5  }
0x12a: {  	v2 =	vor.u32 v3, v2;
	_ =	sdelay $0x4  }
0x12b: {  	[tilespmem:v2+s13+$0x0] =	vst.idx.msk $0xffff, v1  }
0x12c: {  	v2 =	vld [tilespmem:s21+$0xFFFFFFBC];
	_ =	sdelay $0x4  }
0x12d: {  	v47 =	vshll.u32 v2, $0x3  }
0x12e: {  	v5 =	vand.u32 $0xFFFFFC00, v47  }
0x12f: {  	v2 =	vand.u32 $0x7F, v2;
	v5 =	vadd.s32 v4, v5  }
0x130: {  	v2 =	vor.u32 v2, v5  }
0x131: {  	v2 =	vor.u32 v3, v2;
	_ =	sdelay $0x4  }
0x132: {  	[tilespmem:v2+s13+$0x0] =	vst.idx.msk $0xffff, v1  }
0x133: {  	v2 =	vld [tilespmem:s21+$0xFFFFFFBE];
	_ =	sdelay $0x4  }
0x134: {  	v48 =	vshll.u32 v2, $0x3  }
0x135: {  	v5 =	vand.u32 $0xFFFFFC00, v48  }
0x136: {  	v2 =	vand.u32 $0x7F, v2;
	v4 =	vadd.s32 v4, v5  }
0x137: {  	v2 =	vor.u32 v2, v4  }
0x138: {  	v2 =	vor.u32 v3, v2;
	_ =	sdelay $0x4  }
0x139: {  	[tilespmem:v2+s13+$0x0] =	vst.idx.msk vm0, v1  }
0x13a: {  	v2 =	vld [tilespmem:s21+$0xFFFFFFCE];
	_ =	sdelay $0x2  }
0x13b: {  	s22 =	sadd.s32 $0x1, s20  }
0x13c: {  	v3 =	vmov s22  }
0x13d: {  	v49 =	vshll.u32 v3, $0xA;
	v50 =	vshll.u32 v2, $0x3  }
0x13e: {  	v4 =	vand.u32 $0x6000, v49;
	v5 =	vand.u32 $0xFFFFFC00, v50  }
0x13f: {  	v3 =	vshll.u32 v3, $0x7;
	v2 =	vand.u32 $0x7F, v2;
	v5 =	vadd.s32 v4, v5  }
0x140: {  	v3 =	vand.u32 $0x280, v3;
	v2 =	vor.u32 v2, v5  }
0x141: {  	v2 =	vor.u32 v3, v2;
	_ =	sdelay $0x4  }
0x142: {  	[tilespmem:v2+s13+$0x0] =	vst.idx.msk $0xffff, v1  }
0x143: {  	v2 =	vld [tilespmem:s21+$0xFFFFFFDE];
	_ =	sdelay $0x4  }
0x144: {  	v51 =	vshll.u32 v2, $0x3  }
0x145: {  	v5 =	vand.u32 $0xFFFFFC00, v51  }
0x146: {  	v2 =	vand.u32 $0x7F, v2;
	v5 =	vadd.s32 v4, v5  }
0x147: {  	v2 =	vor.u32 v2, v5  }
0x148: {  	v2 =	vor.u32 v3, v2;
	_ =	sdelay $0x4  }
0x149: {  	[tilespmem:v2+s13+$0x0] =	vst.idx.msk $0xffff, v1  }
0x14a: {  	v2 =	vld [tilespmem:s21+$0xFFFFFFEE];
	_ =	sdelay $0x4  }
0x14b: {  	v52 =	vshll.u32 v2, $0x3  }
0x14c: {  	v5 =	vand.u32 $0xFFFFFC00, v52  }
0x14d: {  	v2 =	vand.u32 $0x7F, v2;
	v5 =	vadd.s32 v4, v5  }
0x14e: {  	v2 =	vor.u32 v2, v5  }
0x14f: {  	v2 =	vor.u32 v3, v2;
	_ =	sdelay $0x4  }
0x150: {  	[tilespmem:v2+s13+$0x0] =	vst.idx.msk $0xffff, v1  }
0x151: {  	v2 =	vld [tilespmem:s21+$0xFFFFFFF0];
	_ =	sdelay $0x4  }
0x152: {  	v53 =	vshll.u32 v2, $0x3  }
0x153: {  	v5 =	vand.u32 $0xFFFFFC00, v53  }
0x154: {  	v2 =	vand.u32 $0x7F, v2;
	v4 =	vadd.s32 v4, v5  }
0x155: {  	v2 =	vor.u32 v2, v4  }
0x156: {  	v2 =	vor.u32 v3, v2;
	_ =	sdelay $0x4  }
0x157: {  	[tilespmem:v2+s13+$0x0] =	vst.idx.msk vm0, v1  }
0x158: {  	v2 =	vld [tilespmem:s21+$0x0];
	_ =	sdelay $0x2  }
0x159: {  	s30 =	sadd.s32 $0x2, s20  }
0x15a: {  	v3 =	vmov s30  }
0x15b: {  	v54 =	vshll.u32 v3, $0xA;
	v55 =	vshll.u32 v2, $0x3  }
0x15c: {  	v4 =	vand.u32 $0x6000, v54;
	v5 =	vand.u32 $0xFFFFFC00, v55  }
0x15d: {  	v3 =	vshll.u32 v3, $0x7;
	v2 =	vand.u32 $0x7F, v2;
	v5 =	vadd.s32 v4, v5  }
0x15e: {  	v3 =	vand.u32 $0x300, v3;
	v2 =	vor.u32 v2, v5  }
0x15f: {  	v2 =	vor.u32 v3, v2;
	_ =	sdelay $0x4  }
0x160: {  	[tilespmem:v2+s13+$0x0] =	vst.idx.msk $0xffff, v1  }
0x161: {  	v2 =	vld [tilespmem:s21+$0x10];
	_ =	sdelay $0x4  }
0x162: {  	v56 =	vshll.u32 v2, $0x3  }
0x163: {  	v5 =	vand.u32 $0xFFFFFC00, v56  }
0x164: {  	v2 =	vand.u32 $0x7F, v2;
	v5 =	vadd.s32 v4, v5  }
0x165: {  	v2 =	vor.u32 v2, v5  }
0x166: {  	v2 =	vor.u32 v3, v2;
	_ =	sdelay $0x4  }
0x167: {  	[tilespmem:v2+s13+$0x0] =	vst.idx.msk $0xffff, v1  }
0x168: {  	v2 =	vld [tilespmem:s21+$0x20];
	_ =	sdelay $0x4  }
0x169: {  	v57 =	vshll.u32 v2, $0x3  }
0x16a: {  	v5 =	vand.u32 $0xFFFFFC00, v57  }
0x16b: {  	v2 =	vand.u32 $0x7F, v2;
	v5 =	vadd.s32 v4, v5  }
0x16c: {  	v2 =	vor.u32 v2, v5  }
0x16d: {  	v2 =	vor.u32 v3, v2;
	_ =	sdelay $0x4  }
0x16e: {  	[tilespmem:v2+s13+$0x0] =	vst.idx.msk $0xffff, v1  }
0x16f: {  	v2 =	vld [tilespmem:s21+$0x22];
	_ =	sdelay $0x4  }
0x170: {  	v58 =	vshll.u32 v2, $0x3  }
0x171: {  	v5 =	vand.u32 $0xFFFFFC00, v58  }
0x172: {  	v2 =	vand.u32 $0x7F, v2;
	v4 =	vadd.s32 v4, v5  }
0x173: {  	v2 =	vor.u32 v2, v4  }
0x174: {  	v2 =	vor.u32 v3, v2;
	_ =	sdelay $0x4  }
0x175: {  	[tilespmem:v2+s13+$0x0] =	vst.idx.msk vm0, v1  }
0x176: {  	v2 =	vld [tilespmem:s21+$0x32];
	_ =	sdelay $0x2  }
0x177: {  	s31 =	sadd.s32 $0x3, s20  }
0x178: {  	v3 =	vmov s31  }
0x179: {  	v59 =	vshll.u32 v3, $0xA;
	v60 =	vshll.u32 v2, $0x3  }
0x17a: {  	v4 =	vand.u32 $0x6000, v59;
	v5 =	vand.u32 $0xFFFFFC00, v60  }
0x17b: {  	v3 =	vshll.u32 v3, $0x7;
	v2 =	vand.u32 $0x7F, v2;
	v5 =	vadd.s32 v4, v5  }
0x17c: {  	v3 =	vand.u32 $0x380, v3;
	v2 =	vor.u32 v2, v5  }
0x17d: {  	v2 =	vor.u32 v3, v2;
	_ =	sdelay $0x4  }
0x17e: {  	[tilespmem:v2+s13+$0x0] =	vst.idx.msk $0xffff, v1  }
0x17f: {  	v2 =	vld [tilespmem:s21+$0x42];
	_ =	sdelay $0x4  }
0x180: {  	v61 =	vshll.u32 v2, $0x3  }
0x181: {  	v5 =	vand.u32 $0xFFFFFC00, v61  }
0x182: {  	v2 =	vand.u32 $0x7F, v2;
	v5 =	vadd.s32 v4, v5  }
0x183: {  	v2 =	vor.u32 v2, v5  }
0x184: {  	v2 =	vor.u32 v3, v2;
	_ =	sdelay $0x4  }
0x185: {  	[tilespmem:v2+s13+$0x0] =	vst.idx.msk $0xffff, v1  }
0x186: {  	v2 =	vld [tilespmem:s21+$0x52];
	_ =	sdelay $0x4  }
0x187: {  	v62 =	vshll.u32 v2, $0x3  }
0x188: {  	v5 =	vand.u32 $0xFFFFFC00, v62  }
0x189: {  	v2 =	vand.u32 $0x7F, v2;
	v5 =	vadd.s32 v4, v5  }
0x18a: {  	v2 =	vor.u32 v2, v5  }
0x18b: {  	v2 =	vor.u32 v3, v2;
	_ =	sdelay $0x4  }
0x18c: {  	[tilespmem:v2+s13+$0x0] =	vst.idx.msk $0xffff, v1  }
0x18d: {  	v2 =	vld [tilespmem:s21+$0x54];
	_ =	sdelay $0x4  }
0x18e: {  	v63 =	vshll.u32 v2, $0x3  }
0x18f: {  	v5 =	vand.u32 $0xFFFFFC00, v63  }
0x190: {  	v2 =	vand.u32 $0x7F, v2;
	v4 =	vadd.s32 v4, v5  }
0x191: {  	v2 =	vor.u32 v2, v4  }
0x192: {  	p0 =	sne.s32 s20, $0x1C;
	v2 =	vor.u32 v3, v2  }
.Ltmp2:
0x193: {  	_ = 	snop;
	(pc) =	sbr.rel @p0 .LBB2_6-.Ltmp2, $2  }
0x194: {  	_ =	sdelay $0x2  }
0x195: {  	s20 =	sadd.s32 $0x4, s20;
	s21 =	sadd.s32 $0xC8, s21;
	[tilespmem:v2+s13+$0x0] =	vst.idx.msk vm0, v1  }
0x196: {  	s20 =	simm.s32 $0x0  }
0x197: {  	[tilespmem:s20], [sflag:$0x3] =	stream.linear.gather [hbm4b:s8+s20], $0x640, $0x38;
	[tilespmem:$0x10D00] =	vst v63  }
0x198: {  	_ =	swait.ge [sflag:s17], $0x640  }
0x199: {  	[sflag:s17] =	ssyncset.done $0x0  }
0x19a: {  	s21 =	simm.s32 $0x64;
	[sflag:s17] =	ssyncadd.s32 $0xFFFFF9C0  }
.LBB2_8:
0x19b: {  	v2 =	vld [tilespmem:s21+$0xFFFFFF9C];
	_ =	sdelay $0x3  }
0x19c: {  	v3 =	vmov s20  }
0x19d: {  	v4 =	vshll.u32 v3, $0xA;
	v5 =	vshll.u32 v2, $0x3  }
0x19e: {  	v4 =	vand.u32 $0x6000, v4;
	v5 =	vand.u32 $0xFFFFFC00, v5  }
0x19f: {  	v3 =	vshll.u32 v3, $0x7;
	v2 =	vand.u32 $0x7F, v2;
	v5 =	vadd.s32 v4, v5  }
0x1a0: {  	v3 =	vand.u32 $0x200, v3;
	v2 =	vor.u32 v2, v5  }
0x1a1: {  	v2 =	vor.u32 v3, v2;
	_ =	sdelay $0x4  }
0x1a2: {  	[tilespmem:v2+s13+$0x0] =	vst.idx.add.f32.msk $0xffff, v0  }
0x1a3: {  	v2 =	vld [tilespmem:s21+$0xFFFFFFAC];
	_ =	sdelay $0x4  }
0x1a4: {  	v46 =	vshll.u32 v2, $0x3  }
0x1a5: {  	v5 =	vand.u32 $0xFFFFFC00, v46  }
0x1a6: {  	v2 =	vand.u32 $0x7F, v2;
	v5 =	vadd.s32 v4, v5  }
0x1a7: {  	v2 =	vor.u32 v2, v5  }
0x1a8: {  	v2 =	vor.u32 v3, v2;
	_ =	sdelay $0x4  }
0x1a9: {  	[tilespmem:v2+s13+$0x0] =	vst.idx.add.f32.msk $0xffff, v0  }
0x1aa: {  	v2 =	vld [tilespmem:s21+$0xFFFFFFBC];
	_ =	sdelay $0x4  }
0x1ab: {  	v47 =	vshll.u32 v2, $0x3  }
0x1ac: {  	v5 =	vand.u32 $0xFFFFFC00, v47  }
0x1ad: {  	v2 =	vand.u32 $0x7F, v2;
	v5 =	vadd.s32 v4, v5  }
0x1ae: {  	v2 =	vor.u32 v2, v5  }
0x1af: {  	v2 =	vor.u32 v3, v2;
	_ =	sdelay $0x4  }
0x1b0: {  	[tilespmem:v2+s13+$0x0] =	vst.idx.add.f32.msk $0xffff, v0  }
0x1b1: {  	v2 =	vld [tilespmem:s21+$0xFFFFFFBE];
	_ =	sdelay $0x4  }
0x1b2: {  	v48 =	vshll.u32 v2, $0x3  }
0x1b3: {  	v5 =	vand.u32 $0xFFFFFC00, v48  }
0x1b4: {  	v2 =	vand.u32 $0x7F, v2;
	v4 =	vadd.s32 v4, v5  }
0x1b5: {  	v2 =	vor.u32 v2, v4  }
0x1b6: {  	v2 =	vor.u32 v3, v2;
	_ =	sdelay $0x4  }
0x1b7: {  	[tilespmem:v2+s13+$0x0] =	vst.idx.add.f32.msk vm0, v0  }
0x1b8: {  	v2 =	vld [tilespmem:s21+$0xFFFFFFCE];
	_ =	sdelay $0x2  }
0x1b9: {  	s22 =	sadd.s32 $0x1, s20  }
0x1ba: {  	v3 =	vmov s22  }
0x1bb: {  	v49 =	vshll.u32 v3, $0xA;
	v50 =	vshll.u32 v2, $0x3  }
0x1bc: {  	v4 =	vand.u32 $0x6000, v49;
	v5 =	vand.u32 $0xFFFFFC00, v50  }
0x1bd: {  	v3 =	vshll.u32 v3, $0x7;
	v2 =	vand.u32 $0x7F, v2;
	v5 =	vadd.s32 v4, v5  }
0x1be: {  	v3 =	vand.u32 $0x280, v3;
	v2 =	vor.u32 v2, v5  }
0x1bf: {  	v2 =	vor.u32 v3, v2;
	_ =	sdelay $0x4  }
0x1c0: {  	[tilespmem:v2+s13+$0x0] =	vst.idx.add.f32.msk $0xffff, v0  }
0x1c1: {  	v2 =	vld [tilespmem:s21+$0xFFFFFFDE];
	_ =	sdelay $0x4  }
0x1c2: {  	v51 =	vshll.u32 v2, $0x3  }
0x1c3: {  	v5 =	vand.u32 $0xFFFFFC00, v51  }
0x1c4: {  	v2 =	vand.u32 $0x7F, v2;
	v5 =	vadd.s32 v4, v5  }
0x1c5: {  	v2 =	vor.u32 v2, v5  }
0x1c6: {  	v2 =	vor.u32 v3, v2;
	_ =	sdelay $0x4  }
0x1c7: {  	[tilespmem:v2+s13+$0x0] =	vst.idx.add.f32.msk $0xffff, v0  }
0x1c8: {  	v2 =	vld [tilespmem:s21+$0xFFFFFFEE];
	_ =	sdelay $0x4  }
0x1c9: {  	v52 =	vshll.u32 v2, $0x3  }
0x1ca: {  	v5 =	vand.u32 $0xFFFFFC00, v52  }
0x1cb: {  	v2 =	vand.u32 $0x7F, v2;
	v5 =	vadd.s32 v4, v5  }
0x1cc: {  	v2 =	vor.u32 v2, v5  }
0x1cd: {  	v2 =	vor.u32 v3, v2;
	_ =	sdelay $0x4  }
0x1ce: {  	[tilespmem:v2+s13+$0x0] =	vst.idx.add.f32.msk $0xffff, v0  }
0x1cf: {  	v2 =	vld [tilespmem:s21+$0xFFFFFFF0];
	_ =	sdelay $0x4  }
0x1d0: {  	v53 =	vshll.u32 v2, $0x3  }
0x1d1: {  	v5 =	vand.u32 $0xFFFFFC00, v53  }
0x1d2: {  	v2 =	vand.u32 $0x7F, v2;
	v4 =	vadd.s32 v4, v5  }
0x1d3: {  	v2 =	vor.u32 v2, v4  }
0x1d4: {  	v2 =	vor.u32 v3, v2;
	_ =	sdelay $0x4  }
0x1d5: {  	[tilespmem:v2+s13+$0x0] =	vst.idx.add.f32.msk vm0, v0  }
0x1d6: {  	v2 =	vld [tilespmem:s21+$0x0];
	_ =	sdelay $0x2  }
0x1d7: {  	s30 =	sadd.s32 $0x2, s20  }
0x1d8: {  	v3 =	vmov s30  }
0x1d9: {  	v54 =	vshll.u32 v3, $0xA;
	v55 =	vshll.u32 v2, $0x3  }
0x1da: {  	v4 =	vand.u32 $0x6000, v54;
	v5 =	vand.u32 $0xFFFFFC00, v55  }
0x1db: {  	v3 =	vshll.u32 v3, $0x7;
	v2 =	vand.u32 $0x7F, v2;
	v5 =	vadd.s32 v4, v5  }
0x1dc: {  	v3 =	vand.u32 $0x300, v3;
	v2 =	vor.u32 v2, v5  }
0x1dd: {  	v2 =	vor.u32 v3, v2;
	_ =	sdelay $0x4  }
0x1de: {  	[tilespmem:v2+s13+$0x0] =	vst.idx.add.f32.msk $0xffff, v0  }
0x1df: {  	v2 =	vld [tilespmem:s21+$0x10];
	_ =	sdelay $0x4  }
0x1e0: {  	v56 =	vshll.u32 v2, $0x3  }
0x1e1: {  	v5 =	vand.u32 $0xFFFFFC00, v56  }
0x1e2: {  	v2 =	vand.u32 $0x7F, v2;
	v5 =	vadd.s32 v4, v5  }
0x1e3: {  	v2 =	vor.u32 v2, v5  }
0x1e4: {  	v2 =	vor.u32 v3, v2;
	_ =	sdelay $0x4  }
0x1e5: {  	[tilespmem:v2+s13+$0x0] =	vst.idx.add.f32.msk $0xffff, v0  }
0x1e6: {  	v2 =	vld [tilespmem:s21+$0x20];
	_ =	sdelay $0x4  }
0x1e7: {  	v57 =	vshll.u32 v2, $0x3  }
0x1e8: {  	v5 =	vand.u32 $0xFFFFFC00, v57  }
0x1e9: {  	v2 =	vand.u32 $0x7F, v2;
	v5 =	vadd.s32 v4, v5  }
0x1ea: {  	v2 =	vor.u32 v2, v5  }
0x1eb: {  	v2 =	vor.u32 v3, v2;
	_ =	sdelay $0x4  }
0x1ec: {  	[tilespmem:v2+s13+$0x0] =	vst.idx.add.f32.msk $0xffff, v0  }
0x1ed: {  	v2 =	vld [tilespmem:s21+$0x22];
	_ =	sdelay $0x4  }
0x1ee: {  	v58 =	vshll.u32 v2, $0x3  }
0x1ef: {  	v5 =	vand.u32 $0xFFFFFC00, v58  }
0x1f0: {  	v2 =	vand.u32 $0x7F, v2;
	v4 =	vadd.s32 v4, v5  }
0x1f1: {  	v2 =	vor.u32 v2, v4  }
0x1f2: {  	v2 =	vor.u32 v3, v2;
	_ =	sdelay $0x4  }
0x1f3: {  	[tilespmem:v2+s13+$0x0] =	vst.idx.add.f32.msk vm0, v0  }
0x1f4: {  	v2 =	vld [tilespmem:s21+$0x32];
	_ =	sdelay $0x2  }
0x1f5: {  	s31 =	sadd.s32 $0x3, s20  }
0x1f6: {  	v3 =	vmov s31  }
0x1f7: {  	v59 =	vshll.u32 v3, $0xA;
	v60 =	vshll.u32 v2, $0x3  }
0x1f8: {  	v4 =	vand.u32 $0x6000, v59;
	v5 =	vand.u32 $0xFFFFFC00, v60  }
0x1f9: {  	v3 =	vshll.u32 v3, $0x7;
	v2 =	vand.u32 $0x7F, v2;
	v5 =	vadd.s32 v4, v5  }
0x1fa: {  	v3 =	vand.u32 $0x380, v3;
	v2 =	vor.u32 v2, v5  }
0x1fb: {  	v2 =	vor.u32 v3, v2;
	_ =	sdelay $0x4  }
0x1fc: {  	[tilespmem:v2+s13+$0x0] =	vst.idx.add.f32.msk $0xffff, v0  }
0x1fd: {  	v2 =	vld [tilespmem:s21+$0x42];
	_ =	sdelay $0x4  }
0x1fe: {  	v61 =	vshll.u32 v2, $0x3  }
0x1ff: {  	v5 =	vand.u32 $0xFFFFFC00, v61  }
0x200: {  	v2 =	vand.u32 $0x7F, v2;
	v5 =	vadd.s32 v4, v5  }
0x201: {  	v2 =	vor.u32 v2, v5  }
0x202: {  	v2 =	vor.u32 v3, v2;
	_ =	sdelay $0x4  }
0x203: {  	[tilespmem:v2+s13+$0x0] =	vst.idx.add.f32.msk $0xffff, v0  }
0x204: {  	v2 =	vld [tilespmem:s21+$0x52];
	_ =	sdelay $0x4  }
0x205: {  	v62 =	vshll.u32 v2, $0x3  }
0x206: {  	v5 =	vand.u32 $0xFFFFFC00, v62  }
0x207: {  	v2 =	vand.u32 $0x7F, v2;
	v5 =	vadd.s32 v4, v5  }
0x208: {  	v2 =	vor.u32 v2, v5  }
0x209: {  	v2 =	vor.u32 v3, v2;
	_ =	sdelay $0x4  }
0x20a: {  	[tilespmem:v2+s13+$0x0] =	vst.idx.add.f32.msk $0xffff, v0  }
0x20b: {  	v2 =	vld [tilespmem:s21+$0x54];
	_ =	sdelay $0x4  }
0x20c: {  	v63 =	vshll.u32 v2, $0x3  }
0x20d: {  	v5 =	vand.u32 $0xFFFFFC00, v63  }
0x20e: {  	v2 =	vand.u32 $0x7F, v2;
	v4 =	vadd.s32 v4, v5  }
0x20f: {  	v2 =	vor.u32 v2, v4  }
0x210: {  	p0 =	sne.s32 s20, $0x1C;
	v2 =	vor.u32 v3, v2  }
.Ltmp3:
0x211: {  	_ = 	snop;
	(pc) =	sbr.rel @p0 .LBB2_8-.Ltmp3, $2  }
0x212: {  	_ =	sdelay $0x2  }
0x213: {  	s20 =	sadd.s32 $0x4, s20;
	s21 =	sadd.s32 $0xC8, s21;
	[tilespmem:v2+s13+$0x0] =	vst.idx.add.f32.msk vm0, v0  }
0x214: {  	s20 =	simm.s32 $0x0  }
0x215: {  	[hbm4b:s9+s20] =	stream.linear.scatter [tilespmem:s13], [sflag:$0x1], $0x8000, $0x38;
	[tilespmem:$0x10D00] =	vst v63  }
0x216: {  	_ =	swait.ge [sflag:s16], $0x8000  }
0x217: {  	[sflag:s16] =	ssyncset.done $0x0  }
0x218: {  	s21 =	simm.s32 $0x6E4;
	[sflag:s16] =	ssyncadd.s32 $0xFFFF8000  }
.LBB2_10:
0x219: {  	v2 =	vld [tilespmem:s21+$0xFFFFFF9C];
	_ =	sdelay $0x3  }
0x21a: {  	v3 =	vmov s20  }
0x21b: {  	v4 =	vshll.u32 v3, $0xA;
	v5 =	vshll.u32 v2, $0x3  }
0x21c: {  	v4 =	vand.u32 $0x6000, v4;
	v5 =	vand.u32 $0xFFFFFC00, v5  }
0x21d: {  	v3 =	vshll.u32 v3, $0x7;
	v2 =	vand.u32 $0x7F, v2;
	v5 =	vadd.s32 v4, v5  }
0x21e: {  	v3 =	vand.u32 $0x200, v3;
	v2 =	vor.u32 v2, v5  }
0x21f: {  	v2 =	vor.u32 v3, v2;
	_ =	sdelay $0x4  }
0x220: {  	[tilespmem:v2+s14+$0x0] =	vst.idx.msk $0xffff, v1  }
0x221: {  	v2 =	vld [tilespmem:s21+$0xFFFFFFAC];
	_ =	sdelay $0x4  }
0x222: {  	v46 =	vshll.u32 v2, $0x3  }
0x223: {  	v5 =	vand.u32 $0xFFFFFC00, v46  }
0x224: {  	v2 =	vand.u32 $0x7F, v2;
	v5 =	vadd.s32 v4, v5  }
0x225: {  	v2 =	vor.u32 v2, v5  }
0x226: {  	v2 =	vor.u32 v3, v2;
	_ =	sdelay $0x4  }
0x227: {  	[tilespmem:v2+s14+$0x0] =	vst.idx.msk $0xffff, v1  }
0x228: {  	v2 =	vld [tilespmem:s21+$0xFFFFFFBC];
	_ =	sdelay $0x4  }
0x229: {  	v47 =	vshll.u32 v2, $0x3  }
0x22a: {  	v5 =	vand.u32 $0xFFFFFC00, v47  }
0x22b: {  	v2 =	vand.u32 $0x7F, v2;
	v5 =	vadd.s32 v4, v5  }
0x22c: {  	v2 =	vor.u32 v2, v5  }
0x22d: {  	v2 =	vor.u32 v3, v2;
	_ =	sdelay $0x4  }
0x22e: {  	[tilespmem:v2+s14+$0x0] =	vst.idx.msk $0xffff, v1  }
0x22f: {  	v2 =	vld [tilespmem:s21+$0xFFFFFFBE];
	_ =	sdelay $0x4  }
0x230: {  	v48 =	vshll.u32 v2, $0x3  }
0x231: {  	v5 =	vand.u32 $0xFFFFFC00, v48  }
0x232: {  	v2 =	vand.u32 $0x7F, v2;
	v4 =	vadd.s32 v4, v5  }
0x233: {  	v2 =	vor.u32 v2, v4  }
0x234: {  	v2 =	vor.u32 v3, v2;
	_ =	sdelay $0x4  }
0x235: {  	[tilespmem:v2+s14+$0x0] =	vst.idx.msk vm0, v1  }
0x236: {  	v2 =	vld [tilespmem:s21+$0xFFFFFFCE];
	_ =	sdelay $0x2  }
0x237: {  	s22 =	sadd.s32 $0x1, s20  }
0x238: {  	v3 =	vmov s22  }
0x239: {  	v49 =	vshll.u32 v3, $0xA;
	v50 =	vshll.u32 v2, $0x3  }
0x23a: {  	v4 =	vand.u32 $0x6000, v49;
	v5 =	vand.u32 $0xFFFFFC00, v50  }
0x23b: {  	v3 =	vshll.u32 v3, $0x7;
	v2 =	vand.u32 $0x7F, v2;
	v5 =	vadd.s32 v4, v5  }
0x23c: {  	v3 =	vand.u32 $0x280, v3;
	v2 =	vor.u32 v2, v5  }
0x23d: {  	v2 =	vor.u32 v3, v2;
	_ =	sdelay $0x4  }
0x23e: {  	[tilespmem:v2+s14+$0x0] =	vst.idx.msk $0xffff, v1  }
0x23f: {  	v2 =	vld [tilespmem:s21+$0xFFFFFFDE];
	_ =	sdelay $0x4  }
0x240: {  	v51 =	vshll.u32 v2, $0x3  }
0x241: {  	v5 =	vand.u32 $0xFFFFFC00, v51  }
0x242: {  	v2 =	vand.u32 $0x7F, v2;
	v5 =	vadd.s32 v4, v5  }
0x243: {  	v2 =	vor.u32 v2, v5  }
0x244: {  	v2 =	vor.u32 v3, v2;
	_ =	sdelay $0x4  }
0x245: {  	[tilespmem:v2+s14+$0x0] =	vst.idx.msk $0xffff, v1  }
0x246: {  	v2 =	vld [tilespmem:s21+$0xFFFFFFEE];
	_ =	sdelay $0x4  }
0x247: {  	v52 =	vshll.u32 v2, $0x3  }
0x248: {  	v5 =	vand.u32 $0xFFFFFC00, v52  }
0x249: {  	v2 =	vand.u32 $0x7F, v2;
	v5 =	vadd.s32 v4, v5  }
0x24a: {  	v2 =	vor.u32 v2, v5  }
0x24b: {  	v2 =	vor.u32 v3, v2;
	_ =	sdelay $0x4  }
0x24c: {  	[tilespmem:v2+s14+$0x0] =	vst.idx.msk $0xffff, v1  }
0x24d: {  	v2 =	vld [tilespmem:s21+$0xFFFFFFF0];
	_ =	sdelay $0x4  }
0x24e: {  	v53 =	vshll.u32 v2, $0x3  }
0x24f: {  	v5 =	vand.u32 $0xFFFFFC00, v53  }
0x250: {  	v2 =	vand.u32 $0x7F, v2;
	v4 =	vadd.s32 v4, v5  }
0x251: {  	v2 =	vor.u32 v2, v4  }
0x252: {  	v2 =	vor.u32 v3, v2;
	_ =	sdelay $0x4  }
0x253: {  	[tilespmem:v2+s14+$0x0] =	vst.idx.msk vm0, v1  }
0x254: {  	v2 =	vld [tilespmem:s21+$0x0];
	_ =	sdelay $0x2  }
0x255: {  	s30 =	sadd.s32 $0x2, s20  }
0x256: {  	v3 =	vmov s30  }
0x257: {  	v54 =	vshll.u32 v3, $0xA;
	v55 =	vshll.u32 v2, $0x3  }
0x258: {  	v4 =	vand.u32 $0x6000, v54;
	v5 =	vand.u32 $0xFFFFFC00, v55  }
0x259: {  	v3 =	vshll.u32 v3, $0x7;
	v2 =	vand.u32 $0x7F, v2;
	v5 =	vadd.s32 v4, v5  }
0x25a: {  	v3 =	vand.u32 $0x300, v3;
	v2 =	vor.u32 v2, v5  }
0x25b: {  	v2 =	vor.u32 v3, v2;
	_ =	sdelay $0x4  }
0x25c: {  	[tilespmem:v2+s14+$0x0] =	vst.idx.msk $0xffff, v1  }
0x25d: {  	v2 =	vld [tilespmem:s21+$0x10];
	_ =	sdelay $0x4  }
0x25e: {  	v56 =	vshll.u32 v2, $0x3  }
0x25f: {  	v5 =	vand.u32 $0xFFFFFC00, v56  }
0x260: {  	v2 =	vand.u32 $0x7F, v2;
	v5 =	vadd.s32 v4, v5  }
0x261: {  	v2 =	vor.u32 v2, v5  }
0x262: {  	v2 =	vor.u32 v3, v2;
	_ =	sdelay $0x4  }
0x263: {  	[tilespmem:v2+s14+$0x0] =	vst.idx.msk $0xffff, v1  }
0x264: {  	v2 =	vld [tilespmem:s21+$0x20];
	_ =	sdelay $0x4  }
0x265: {  	v57 =	vshll.u32 v2, $0x3  }
0x266: {  	v5 =	vand.u32 $0xFFFFFC00, v57  }
0x267: {  	v2 =	vand.u32 $0x7F, v2;
	v5 =	vadd.s32 v4, v5  }
0x268: {  	v2 =	vor.u32 v2, v5  }
0x269: {  	v2 =	vor.u32 v3, v2;
	_ =	sdelay $0x4  }
0x26a: {  	[tilespmem:v2+s14+$0x0] =	vst.idx.msk $0xffff, v1  }
0x26b: {  	v2 =	vld [tilespmem:s21+$0x22];
	_ =	sdelay $0x4  }
0x26c: {  	v58 =	vshll.u32 v2, $0x3  }
0x26d: {  	v5 =	vand.u32 $0xFFFFFC00, v58  }
0x26e: {  	v2 =	vand.u32 $0x7F, v2;
	v4 =	vadd.s32 v4, v5  }
0x26f: {  	v2 =	vor.u32 v2, v4  }
0x270: {  	v2 =	vor.u32 v3, v2;
	_ =	sdelay $0x4  }
0x271: {  	[tilespmem:v2+s14+$0x0] =	vst.idx.msk vm0, v1  }
0x272: {  	v2 =	vld [tilespmem:s21+$0x32];
	_ =	sdelay $0x2  }
0x273: {  	s31 =	sadd.s32 $0x3, s20  }
0x274: {  	v3 =	vmov s31  }
0x275: {  	v59 =	vshll.u32 v3, $0xA;
	v60 =	vshll.u32 v2, $0x3  }
0x276: {  	v4 =	vand.u32 $0x6000, v59;
	v5 =	vand.u32 $0xFFFFFC00, v60  }
0x277: {  	v3 =	vshll.u32 v3, $0x7;
	v2 =	vand.u32 $0x7F, v2;
	v5 =	vadd.s32 v4, v5  }
0x278: {  	v3 =	vand.u32 $0x380, v3;
	v2 =	vor.u32 v2, v5  }
0x279: {  	v2 =	vor.u32 v3, v2;
	_ =	sdelay $0x4  }
0x27a: {  	[tilespmem:v2+s14+$0x0] =	vst.idx.msk $0xffff, v1  }
0x27b: {  	v2 =	vld [tilespmem:s21+$0x42];
	_ =	sdelay $0x4  }
0x27c: {  	v61 =	vshll.u32 v2, $0x3  }
0x27d: {  	v5 =	vand.u32 $0xFFFFFC00, v61  }
0x27e: {  	v2 =	vand.u32 $0x7F, v2;
	v5 =	vadd.s32 v4, v5  }
0x27f: {  	v2 =	vor.u32 v2, v5  }
0x280: {  	v2 =	vor.u32 v3, v2;
	_ =	sdelay $0x4  }
0x281: {  	[tilespmem:v2+s14+$0x0] =	vst.idx.msk $0xffff, v1  }
0x282: {  	v2 =	vld [tilespmem:s21+$0x52];
	_ =	sdelay $0x4  }
0x283: {  	v62 =	vshll.u32 v2, $0x3  }
0x284: {  	v5 =	vand.u32 $0xFFFFFC00, v62  }
0x285: {  	v2 =	vand.u32 $0x7F, v2;
	v5 =	vadd.s32 v4, v5  }
0x286: {  	v2 =	vor.u32 v2, v5  }
0x287: {  	v2 =	vor.u32 v3, v2;
	_ =	sdelay $0x4  }
0x288: {  	[tilespmem:v2+s14+$0x0] =	vst.idx.msk $0xffff, v1  }
0x289: {  	v2 =	vld [tilespmem:s21+$0x54];
	_ =	sdelay $0x4  }
0x28a: {  	v63 =	vshll.u32 v2, $0x3  }
0x28b: {  	v5 =	vand.u32 $0xFFFFFC00, v63  }
0x28c: {  	v2 =	vand.u32 $0x7F, v2;
	v4 =	vadd.s32 v4, v5  }
0x28d: {  	v2 =	vor.u32 v2, v4  }
0x28e: {  	p0 =	sne.s32 s20, $0x1C;
	v2 =	vor.u32 v3, v2  }
.Ltmp4:
0x28f: {  	_ = 	snop;
	(pc) =	sbr.rel @p0 .LBB2_10-.Ltmp4, $2  }
0x290: {  	_ =	sdelay $0x2  }
0x291: {  	s20 =	sadd.s32 $0x4, s20;
	s21 =	sadd.s32 $0xC8, s21;
	[tilespmem:v2+s14+$0x0] =	vst.idx.msk vm0, v1  }
0x292: {  	s20 =	simm.s32 $0x0  }
0x293: {  	[tilespmem:s18], [sflag:$0x3] =	stream.linear.gather [hbm4b:s10+s20], $0x640, $0x38;
	[tilespmem:$0x10D00] =	vst v63  }
0x294: {  	_ =	swait.ge [sflag:s17], $0x640  }
0x295: {  	[sflag:s17] =	ssyncset.done $0x0  }
0x296: {  	s21 =	simm.s32 $0x6E4;
	[sflag:s17] =	ssyncadd.s32 $0xFFFFF9C0  }
.LBB2_12:
0x297: {  	v2 =	vld [tilespmem:s21+$0xFFFFFF9C];
	_ =	sdelay $0x3  }
0x298: {  	v3 =	vmov s20  }
0x299: {  	v4 =	vshll.u32 v3, $0xA;
	v5 =	vshll.u32 v2, $0x3  }
0x29a: {  	v4 =	vand.u32 $0x6000, v4;
	v5 =	vand.u32 $0xFFFFFC00, v5  }
0x29b: {  	v3 =	vshll.u32 v3, $0x7;
	v2 =	vand.u32 $0x7F, v2;
	v5 =	vadd.s32 v4, v5  }
0x29c: {  	v3 =	vand.u32 $0x200, v3;
	v2 =	vor.u32 v2, v5  }
0x29d: {  	v2 =	vor.u32 v3, v2;
	_ =	sdelay $0x4  }
0x29e: {  	[tilespmem:v2+s14+$0x0] =	vst.idx.add.f32.msk $0xffff, v0  }
0x29f: {  	v2 =	vld [tilespmem:s21+$0xFFFFFFAC];
	_ =	sdelay $0x4  }
0x2a0: {  	v46 =	vshll.u32 v2, $0x3  }
0x2a1: {  	v5 =	vand.u32 $0xFFFFFC00, v46  }
0x2a2: {  	v2 =	vand.u32 $0x7F, v2;
	v5 =	vadd.s32 v4, v5  }
0x2a3: {  	v2 =	vor.u32 v2, v5  }
0x2a4: {  	v2 =	vor.u32 v3, v2;
	_ =	sdelay $0x4  }
0x2a5: {  	[tilespmem:v2+s14+$0x0] =	vst.idx.add.f32.msk $0xffff, v0  }
0x2a6: {  	v2 =	vld [tilespmem:s21+$0xFFFFFFBC];
	_ =	sdelay $0x4  }
0x2a7: {  	v47 =	vshll.u32 v2, $0x3  }
0x2a8: {  	v5 =	vand.u32 $0xFFFFFC00, v47  }
0x2a9: {  	v2 =	vand.u32 $0x7F, v2;
	v5 =	vadd.s32 v4, v5  }
0x2aa: {  	v2 =	vor.u32 v2, v5  }
0x2ab: {  	v2 =	vor.u32 v3, v2;
	_ =	sdelay $0x4  }
0x2ac: {  	[tilespmem:v2+s14+$0x0] =	vst.idx.add.f32.msk $0xffff, v0  }
0x2ad: {  	v2 =	vld [tilespmem:s21+$0xFFFFFFBE];
	_ =	sdelay $0x4  }
0x2ae: {  	v48 =	vshll.u32 v2, $0x3  }
0x2af: {  	v5 =	vand.u32 $0xFFFFFC00, v48  }
0x2b0: {  	v2 =	vand.u32 $0x7F, v2;
	v4 =	vadd.s32 v4, v5  }
0x2b1: {  	v2 =	vor.u32 v2, v4  }
0x2b2: {  	v2 =	vor.u32 v3, v2;
	_ =	sdelay $0x4  }
0x2b3: {  	[tilespmem:v2+s14+$0x0] =	vst.idx.add.f32.msk vm0, v0  }
0x2b4: {  	v2 =	vld [tilespmem:s21+$0xFFFFFFCE];
	_ =	sdelay $0x2  }
0x2b5: {  	s22 =	sadd.s32 $0x1, s20  }
0x2b6: {  	v3 =	vmov s22  }
0x2b7: {  	v49 =	vshll.u32 v3, $0xA;
	v50 =	vshll.u32 v2, $0x3  }
0x2b8: {  	v4 =	vand.u32 $0x6000, v49;
	v5 =	vand.u32 $0xFFFFFC00, v50  }
0x2b9: {  	v3 =	vshll.u32 v3, $0x7;
	v2 =	vand.u32 $0x7F, v2;
	v5 =	vadd.s32 v4, v5  }
0x2ba: {  	v3 =	vand.u32 $0x280, v3;
	v2 =	vor.u32 v2, v5  }
0x2bb: {  	v2 =	vor.u32 v3, v2;
	_ =	sdelay $0x4  }
0x2bc: {  	[tilespmem:v2+s14+$0x0] =	vst.idx.add.f32.msk $0xffff, v0  }
0x2bd: {  	v2 =	vld [tilespmem:s21+$0xFFFFFFDE];
	_ =	sdelay $0x4  }
0x2be: {  	v51 =	vshll.u32 v2, $0x3  }
0x2bf: {  	v5 =	vand.u32 $0xFFFFFC00, v51  }
0x2c0: {  	v2 =	vand.u32 $0x7F, v2;
	v5 =	vadd.s32 v4, v5  }
0x2c1: {  	v2 =	vor.u32 v2, v5  }
0x2c2: {  	v2 =	vor.u32 v3, v2;
	_ =	sdelay $0x4  }
0x2c3: {  	[tilespmem:v2+s14+$0x0] =	vst.idx.add.f32.msk $0xffff, v0  }
0x2c4: {  	v2 =	vld [tilespmem:s21+$0xFFFFFFEE];
	_ =	sdelay $0x4  }
0x2c5: {  	v52 =	vshll.u32 v2, $0x3  }
0x2c6: {  	v5 =	vand.u32 $0xFFFFFC00, v52  }
0x2c7: {  	v2 =	vand.u32 $0x7F, v2;
	v5 =	vadd.s32 v4, v5  }
0x2c8: {  	v2 =	vor.u32 v2, v5  }
0x2c9: {  	v2 =	vor.u32 v3, v2;
	_ =	sdelay $0x4  }
0x2ca: {  	[tilespmem:v2+s14+$0x0] =	vst.idx.add.f32.msk $0xffff, v0  }
0x2cb: {  	v2 =	vld [tilespmem:s21+$0xFFFFFFF0];
	_ =	sdelay $0x4  }
0x2cc: {  	v53 =	vshll.u32 v2, $0x3  }
0x2cd: {  	v5 =	vand.u32 $0xFFFFFC00, v53  }
0x2ce: {  	v2 =	vand.u32 $0x7F, v2;
	v4 =	vadd.s32 v4, v5  }
0x2cf: {  	v2 =	vor.u32 v2, v4  }
0x2d0: {  	v2 =	vor.u32 v3, v2;
	_ =	sdelay $0x4  }
0x2d1: {  	[tilespmem:v2+s14+$0x0] =	vst.idx.add.f32.msk vm0, v0  }
0x2d2: {  	v2 =	vld [tilespmem:s21+$0x0];
	_ =	sdelay $0x2  }
0x2d3: {  	s30 =	sadd.s32 $0x2, s20  }
0x2d4: {  	v3 =	vmov s30  }
0x2d5: {  	v54 =	vshll.u32 v3, $0xA;
	v55 =	vshll.u32 v2, $0x3  }
0x2d6: {  	v4 =	vand.u32 $0x6000, v54;
	v5 =	vand.u32 $0xFFFFFC00, v55  }
0x2d7: {  	v3 =	vshll.u32 v3, $0x7;
	v2 =	vand.u32 $0x7F, v2;
	v5 =	vadd.s32 v4, v5  }
0x2d8: {  	v3 =	vand.u32 $0x300, v3;
	v2 =	vor.u32 v2, v5  }
0x2d9: {  	v2 =	vor.u32 v3, v2;
	_ =	sdelay $0x4  }
0x2da: {  	[tilespmem:v2+s14+$0x0] =	vst.idx.add.f32.msk $0xffff, v0  }
0x2db: {  	v2 =	vld [tilespmem:s21+$0x10];
	_ =	sdelay $0x4  }
0x2dc: {  	v56 =	vshll.u32 v2, $0x3  }
0x2dd: {  	v5 =	vand.u32 $0xFFFFFC00, v56  }
0x2de: {  	v2 =	vand.u32 $0x7F, v2;
	v5 =	vadd.s32 v4, v5  }
0x2df: {  	v2 =	vor.u32 v2, v5  }
0x2e0: {  	v2 =	vor.u32 v3, v2;
	_ =	sdelay $0x4  }
0x2e1: {  	[tilespmem:v2+s14+$0x0] =	vst.idx.add.f32.msk $0xffff, v0  }
0x2e2: {  	v2 =	vld [tilespmem:s21+$0x20];
	_ =	sdelay $0x4  }
0x2e3: {  	v57 =	vshll.u32 v2, $0x3  }
0x2e4: {  	v5 =	vand.u32 $0xFFFFFC00, v57  }
0x2e5: {  	v2 =	vand.u32 $0x7F, v2;
	v5 =	vadd.s32 v4, v5  }
0x2e6: {  	v2 =	vor.u32 v2, v5  }
0x2e7: {  	v2 =	vor.u32 v3, v2;
	_ =	sdelay $0x4  }
0x2e8: {  	[tilespmem:v2+s14+$0x0] =	vst.idx.add.f32.msk $0xffff, v0  }
0x2e9: {  	v2 =	vld [tilespmem:s21+$0x22];
	_ =	sdelay $0x4  }
0x2ea: {  	v58 =	vshll.u32 v2, $0x3  }
0x2eb: {  	v5 =	vand.u32 $0xFFFFFC00, v58  }
0x2ec: {  	v2 =	vand.u32 $0x7F, v2;
	v4 =	vadd.s32 v4, v5  }
0x2ed: {  	v2 =	vor.u32 v2, v4  }
0x2ee: {  	v2 =	vor.u32 v3, v2;
	_ =	sdelay $0x4  }
0x2ef: {  	[tilespmem:v2+s14+$0x0] =	vst.idx.add.f32.msk vm0, v0  }
0x2f0: {  	v2 =	vld [tilespmem:s21+$0x32];
	_ =	sdelay $0x2  }
0x2f1: {  	s31 =	sadd.s32 $0x3, s20  }
0x2f2: {  	v3 =	vmov s31  }
0x2f3: {  	v59 =	vshll.u32 v3, $0xA;
	v60 =	vshll.u32 v2, $0x3  }
0x2f4: {  	v4 =	vand.u32 $0x6000, v59;
	v5 =	vand.u32 $0xFFFFFC00, v60  }
0x2f5: {  	v3 =	vshll.u32 v3, $0x7;
	v2 =	vand.u32 $0x7F, v2;
	v5 =	vadd.s32 v4, v5  }
0x2f6: {  	v3 =	vand.u32 $0x380, v3;
	v2 =	vor.u32 v2, v5  }
0x2f7: {  	v2 =	vor.u32 v3, v2;
	_ =	sdelay $0x4  }
0x2f8: {  	[tilespmem:v2+s14+$0x0] =	vst.idx.add.f32.msk $0xffff, v0  }
0x2f9: {  	v2 =	vld [tilespmem:s21+$0x42];
	_ =	sdelay $0x4  }
0x2fa: {  	v61 =	vshll.u32 v2, $0x3  }
0x2fb: {  	v5 =	vand.u32 $0xFFFFFC00, v61  }
0x2fc: {  	v2 =	vand.u32 $0x7F, v2;
	v5 =	vadd.s32 v4, v5  }
0x2fd: {  	v2 =	vor.u32 v2, v5  }
0x2fe: {  	v2 =	vor.u32 v3, v2;
	_ =	sdelay $0x4  }
0x2ff: {  	[tilespmem:v2+s14+$0x0] =	vst.idx.add.f32.msk $0xffff, v0  }
0x300: {  	v2 =	vld [tilespmem:s21+$0x52];
	_ =	sdelay $0x4  }
0x301: {  	v62 =	vshll.u32 v2, $0x3  }
0x302: {  	v5 =	vand.u32 $0xFFFFFC00, v62  }
0x303: {  	v2 =	vand.u32 $0x7F, v2;
	v5 =	vadd.s32 v4, v5  }
0x304: {  	v2 =	vor.u32 v2, v5  }
0x305: {  	v2 =	vor.u32 v3, v2;
	_ =	sdelay $0x4  }
0x306: {  	[tilespmem:v2+s14+$0x0] =	vst.idx.add.f32.msk $0xffff, v0  }
0x307: {  	v2 =	vld [tilespmem:s21+$0x54];
	_ =	sdelay $0x4  }
0x308: {  	v63 =	vshll.u32 v2, $0x3  }
0x309: {  	v5 =	vand.u32 $0xFFFFFC00, v63  }
0x30a: {  	v2 =	vand.u32 $0x7F, v2;
	v4 =	vadd.s32 v4, v5  }
0x30b: {  	v2 =	vor.u32 v2, v4  }
0x30c: {  	p0 =	sne.s32 s20, $0x1C;
	v2 =	vor.u32 v3, v2  }
.Ltmp5:
0x30d: {  	_ = 	snop;
	(pc) =	sbr.rel @p0 .LBB2_12-.Ltmp5, $2  }
0x30e: {  	_ =	sdelay $0x2  }
0x30f: {  	s20 =	sadd.s32 $0x4, s20;
	s21 =	sadd.s32 $0xC8, s21;
	[tilespmem:v2+s14+$0x0] =	vst.idx.add.f32.msk vm0, v0  }
0x310: {  	[hbm4b:s11+s2] =	stream.linear.scatter [tilespmem:s14], [sflag:$0x2], $0x8000, $0x38;
	[tilespmem:$0x10D00] =	vst v63  }
0x311: {  	s19 =	sadd.s32 $0x1, s19  }
0x312: {  	_ =	swait.ge [sflag:s15], $0x8000;
	p0 =	sne.s32 s19, s12  }
.Ltmp6:
0x313: {  	[sflag:s15] =	ssyncset.done $0x0;
	(pc) =	sbr.rel @p0 .LBB2_1-.Ltmp6, $4  }
0x314: {  	[sflag:s15] =	ssyncadd.s32 $0xFFFF8000  }
0x315: {  	_ =	swait.ge [sflag:s16], $0x8000  }
0x316: {  	[sflag:s16] =	ssyncset.done $0x0  }
0x317: {  	[sflag:s16] =	ssyncadd.s32 $0xFFFF8000  }
0x318: {  	_ =	sfence.sel $0x180000  }
0x319: {  	[bflag:$0x0] =	sbarrier.arrive $0xFFFF  }
0x31a: {  	p0 =	sne.s32 s1, $0x0;
	_ =	strace $0x90000047  }
0x31b: {  	s0 =	sadd.s32 @!p0 $0x100000, s0;
	[bflag:$0x2] =	sbarrier.arrive $0xFFFF  }
0x31c: {  	[sflag:s0] =	ssyncadd.tile.s32 @!p0 $0x1;
	_ =	shalt  }
.Lfunc_end2:
_tile_overlayer_lowered:
.L_overlay_start_2:
0x31d: {  	(tag) =	ssettag $0x2  }
0x31e: {  	s0 =	rddreg [dreg:$0x0];
	s2 =	stileid.u32  }
0x31f: {  	s1 =	rddreg [dreg:$0x1];
	p0 =	sne.s32 s2, $0x0  }
0x320: {  	s3 =	rddreg [dreg:$0x2];
	[bflag:$0x3] =	sbarrier.arrive $0xFFFF;
	s2 =	simm.s32 @!p0 $0x1C03  }
0x321: {  	[timem:s3], [sflag:s2] =	dma.local @!p0 [hbm:s0], s1  }
0x322: {  	s0 =	simm.s32 @!p0 $0x3  }
0x323: {  	_ =	swait.ge @!p0 [sflag:s0], s1  }
0x324: {  	s1 =	ssub.s32 @!p0 $0x0, s1;
	[sflag:s0] =	ssyncset.done @!p0 $0x0  }
0x325: {  	[sflag:s0] =	ssyncadd.s32 @!p0 s1  }
0x326: {  	[bflag:$0x3] =	sbarrier.arrive $0xFFFF  }
0x327: {  	_ =	shalt  }

</sc_bundles>
